<compile_context>
chip_gen: v7x
topology: tpu7x:2x2x1
jax: 0.10.2.dev20260603
libtpu: 0.0.44.dev20260713+nightly
codegen_flags: <defaults>
</compile_context>

<pallas_src>
import jax
import jax.numpy as jnp
from jax import lax
from jax.experimental import pallas as pl
from jax.experimental.pallas import tpu as pltpu
from jax.experimental.pallas import tpu_sc as plsc

N_B = 4096
N_S = 50
N_D = 128
N_V = 1000

NC, NS = 2, 16
NW = NC * NS
B_PER_W = N_B // NW
NBUF = 5
GROUPS = N_S // NBUF


def _emb_body(idx_hbm, w_hbm, out_hbm, idx_v, rows_v, table_sh, gsem, osem):
    sid = lax.axis_index("s")
    wid = sid * NC + lax.axis_index("c")
    base = wid * B_PER_W

    @pl.when(sid == 0)
    def _():
        pltpu.sync_copy(w_hbm, table_sh)

    pltpu.sync_copy(idx_hbm.at[:, pl.ds(base, B_PER_W)], idx_v)
    plsc.subcore_barrier()

    def gather_desc(c, b):
        return pltpu.make_async_copy(table_sh.at[idx_v.at[c]], rows_v.at[b],
                                     gsem.at[b])

    def out_desc(c, b):
        dst = out_hbm.at[c, pl.ds(base, B_PER_W)]
        return pltpu.make_async_copy(rows_v.at[b], dst, osem.at[b])

    for c in range(3):
        gather_desc(c, c).start()

    for c in range(NBUF):
        gather_desc(c, c).wait()
        out_desc(c, c).start()
        if c >= 2:
            out_desc(c - 2, (c - 2) % NBUF).wait()
        gather_desc(c + 3, (c + 3) % NBUF).start()

    @pl.loop(1, GROUPS - 1)
    def _mid(g):
        c0 = g * NBUF
        for i in range(NBUF):
            gather_desc(c0 + i, i).wait()
            out_desc(c0 + i, i).start()
            out_desc(c0 + i - 2, (i - 2) % NBUF).wait()
            gather_desc(c0 + i + 3, (i + 3) % NBUF).start()

    last = (GROUPS - 1) * NBUF
    for i in range(NBUF):
        c = last + i
        gather_desc(c, i).wait()
        out_desc(c, i).start()
        out_desc(c - 2, (i - 2) % NBUF).wait()
        if c + 3 < N_S:
            gather_desc(c + 3, (i + 3) % NBUF).start()
    out_desc(N_S - 2, (NBUF - 2) % NBUF).wait()
    out_desc(N_S - 1, (NBUF - 1) % NBUF).wait()


_emb_call = pl.kernel(
    _emb_body,
    out_type=jax.ShapeDtypeStruct((N_S, N_B, N_D), jnp.float32),
    mesh=plsc.VectorSubcoreMesh(core_axis_name="c", subcore_axis_name="s"),
    scratch_types=[
        pltpu.VMEM((N_S, B_PER_W), jnp.int32),
        pltpu.VMEM((NBUF, B_PER_W, N_D), jnp.float32),
        pltpu.VMEM_SHARED((N_V, N_D), jnp.float32),
        pltpu.SemaphoreType.DMA((NBUF,)),
        pltpu.SemaphoreType.DMA((NBUF,)),
    ],
    compiler_params=pltpu.CompilerParams(use_tc_tiling_on_sc=True),
)


@jax.jit
def kernel(input_, weight):
    out_t = _emb_call(input_.T, weight)
    return out_t.transpose(1, 0, 2)

# --- scband reference (transcript-rebuilt; emitter-appended) ---
"""Pipeline reference for scband-embedding-layer-5669356834284 (READ-ONLY COPY).

The authoritative reference and input builder live on the scoring server;
editing this copy changes nothing except your own understanding.
"""

import jax, jax.numpy as jnp
import numpy as np

N_V = 1000
N_D = 128
PAD_ID = 0


def setup_inputs(seed: int = 0) -> dict:
    key = jax.random.key(seed)
    k_idx, k_w = jax.random.split(key)
    # forward arg: input_ int indices in [0, 990)
    input_ = jax.random.randint(k_idx, (4096, 50), 0, 990, dtype=jnp.int32)
    # learned parameter: embedding table, uniform(-0.25, 0.25) then L2 row-normalized
    # (EmbeddingLayer with normalize=True divides each row by its L2 norm at init)
    weight = jax.random.uniform(k_w, (N_V, N_D), minval=-0.25, maxval=0.25, dtype=jnp.float32)
    norms = jnp.linalg.norm(weight, axis=1, keepdims=True)
    weight = weight / norms
    return {"input_": input_, "weight": weight}


def reference(input_, weight):
    # EmbeddingLayer.forward: self.embedding(input_) -> row gather from the table
    return jnp.take(weight, input_, axis=0)

if __name__ == "__main__":
    import jax
    _d = setup_inputs()
    print(jax.jit(kernel)(*tuple(_d.values())))

</pallas_src>

<mosaic_0001>
#map = affine_map<(d0, d1) -> (0, 0)>
#map1 = affine_map<(d0, d1) -> (0, 0, 0)>
module attributes {stable_mosaic.version = 14 : i64} {
  func.func @_emb_body(%arg0: i32, %arg1: i32, %arg2: memref<50x4096xi32, #tpu.memory_space<hbm>>, %arg3: memref<1000x128xf32, #tpu.memory_space<hbm>>, %arg4: memref<50x4096x128xf32, #tpu.memory_space<hbm>>, %arg5: memref<50x128xi32, #tpu.memory_space<vmem>>, %arg6: memref<5x128x128xf32, #tpu.memory_space<vmem>>, %arg7: memref<1000x128xf32, #tpu.memory_space<vmem_shared>>, %arg8: memref<5x!tpu.dma_semaphore, #tpu.memory_space<semaphore_mem>>, %arg9: memref<5x!tpu.dma_semaphore, #tpu.memory_space<semaphore_mem>>) attributes {dimension_semantics = [#tpu.dimension_semantics<core_parallel>, #tpu.dimension_semantics<subcore_parallel>], iteration_bounds = array<i64: 2, 16>, scalar_prefetch = 0 : i64, scratch_operands = 5 : i64, tpu.core_type = #tpu.core_type<sc_vector_subcore>, window_params = [{transform_indices = #map}, {transform_indices = #map}, {transform_indices = #map1}]} {
    %mul3A = arith.constant 2 : i32
    %mul3A_0 = arith.muli %arg1, %mul3A : i32
    %add3A = arith.addi %mul3A_0, %arg0 : i32
    %mul3A_1 = arith.constant 128 : i32
    %mul3A_2 = arith.muli %add3A, %mul3A_1 : i32
    %eq3A = arith.constant 0 : i32
    %eq3A_3 = arith.cmpi eq, %arg1, %eq3A : i32
    %convert_element_type3A = arith.extui %eq3A_3 : i1 to i32
    %cond3A = arith.constant 0 : i32
    %cond3A_4 = arith.cmpi ne, %convert_element_type3A, %cond3A : i32
    scf.if %cond3A_4 {
      "tpu.region"() ({
        %run_scoped3A = tpu.sem_alloc : memref<!tpu.dma_semaphore, #tpu.memory_space<semaphore_mem>>
        tpu.enqueue_dma source(%arg3 : memref<1000x128xf32, #tpu.memory_space<hbm>>) target(%arg7 : memref<1000x128xf32, #tpu.memory_space<vmem_shared>>) target_semaphore(%run_scoped3A : memref<!tpu.dma_semaphore, #tpu.memory_space<semaphore_mem>>)
        tpu.wait_dma2 semaphore(%run_scoped3A : memref<!tpu.dma_semaphore, #tpu.memory_space<semaphore_mem>>) src(%arg3 : memref<1000x128xf32, #tpu.memory_space<hbm>>) dst(%arg7 : memref<1000x128xf32, #tpu.memory_space<vmem_shared>>)
        tpu.yield
      }) : () -> ()
    } else {
    }
    "tpu.region"() ({
      %run_scoped3A = tpu.sem_alloc : memref<!tpu.dma_semaphore, #tpu.memory_space<semaphore_mem>>
      %dma_start3A_687 = arith.constant 0 : i32
      %dma_start3A_688 = tpu.memref_slice %arg2[%dma_start3A_687, %mul3A_2] : memref<50x4096xi32, #tpu.memory_space<hbm>> -> memref<50x128xi32, #tpu.memory_space<hbm>>
      %dma_start3A_689 = arith.constant 0 : i32
      %dma_start3A_690 = tpu.memref_slice %arg2[%dma_start3A_689, %mul3A_2] : memref<50x4096xi32, #tpu.memory_space<hbm>> -> memref<50x128xi32, #tpu.memory_space<hbm>>
      tpu.enqueue_dma source(%dma_start3A_690 : memref<50x128xi32, #tpu.memory_space<hbm>>) target(%arg5 : memref<50x128xi32, #tpu.memory_space<vmem>>) target_semaphore(%run_scoped3A : memref<!tpu.dma_semaphore, #tpu.memory_space<semaphore_mem>>)
      %dma_wait3A_691 = arith.constant 0 : i32
      %dma_wait3A_692 = tpu.memref_slice %arg2[%dma_wait3A_691, %mul3A_2] : memref<50x4096xi32, #tpu.memory_space<hbm>> -> memref<50x128xi32, #tpu.memory_space<hbm>>
      %dma_wait3A_693 = arith.constant 0 : i32
      %dma_wait3A_694 = tpu.memref_slice %arg2[%dma_wait3A_693, %mul3A_2] : memref<50x4096xi32, #tpu.memory_space<hbm>> -> memref<50x128xi32, #tpu.memory_space<hbm>>
      tpu.wait_dma2 semaphore(%run_scoped3A : memref<!tpu.dma_semaphore, #tpu.memory_space<semaphore_mem>>) src(%dma_wait3A_694 : memref<50x128xi32, #tpu.memory_space<hbm>>) dst(%arg5 : memref<50x128xi32, #tpu.memory_space<vmem>>)
      tpu.yield
    }) : () -> ()
    %barrier3A = arith.constant 0 : index
    tpu.barrier barrier_id(%barrier3A)
    %dma_start3A = arith.constant 0 : i32
    %dma_start3A_5 = arith.constant 0 : i32
    %dma_start3A_6 = arith.constant 0 : i32
    %dma_start3A_7 = arith.constant 0 : i32
    %dma_start3A_8 = arith.constant 0 : i32
    %dma_start3A_9 = tpu.memref_slice %arg6[%dma_start3A_5, %dma_start3A_7, %dma_start3A_8] : memref<5x128x128xf32, #tpu.memory_space<vmem>> -> memref<1x128x128xf32, #tpu.memory_space<vmem>>
    %dma_start3A_10 = tpu.memref_squeeze %dma_start3A_9 : memref<1x128x128xf32, #tpu.memory_space<vmem>> -> memref<128x128xf32, #tpu.memory_space<vmem>>
    %dma_start3A_11 = arith.constant 0 : i32
    %dma_start3A_12 = tpu.memref_slice %arg5[%dma_start3A, %dma_start3A_11] : memref<50x128xi32, #tpu.memory_space<vmem>> -> memref<1x128xi32, #tpu.memory_space<vmem>>
    %dma_start3A_13 = tpu.memref_squeeze %dma_start3A_12 : memref<1x128xi32, #tpu.memory_space<vmem>> -> memref<128xi32, #tpu.memory_space<vmem>>
    %dma_start3A_14 = arith.constant 0 : i32
    %dma_start3A_15 = arith.constant 0 : i32
    %dma_start3A_16 = tpu.memref_slice %arg7[%dma_start3A_14, %dma_start3A_15] : memref<1000x128xf32, #tpu.memory_space<vmem_shared>> -> memref<1000x128xf32, #tpu.memory_space<vmem_shared>>
    %dma_start3A_17 = tpu.memref_slice %arg8[%dma_start3A_6] : memref<5x!tpu.dma_semaphore, #tpu.memory_space<semaphore_mem>> -> memref<1x!tpu.dma_semaphore, #tpu.memory_space<semaphore_mem>>
    %dma_start3A_18 = tpu.memref_squeeze %dma_start3A_17 : memref<1x!tpu.dma_semaphore, #tpu.memory_space<semaphore_mem>> -> memref<!tpu.dma_semaphore, #tpu.memory_space<semaphore_mem>>
    tpu.enqueue_indirect_dma source(%dma_start3A_16 : memref<1000x128xf32, #tpu.memory_space<vmem_shared>>) target(%dma_start3A_10 : memref<128x128xf32, #tpu.memory_space<vmem>>) offsets(%dma_start3A_13 : memref<128xi32, #tpu.memory_space<vmem>>) semaphore(%dma_start3A_18 : memref<!tpu.dma_semaphore, #tpu.memory_space<semaphore_mem>>)
    %dma_start3A_19 = arith.constant 1 : i32
    %dma_start3A_20 = arith.constant 1 : i32
    %dma_start3A_21 = arith.constant 1 : i32
    %dma_start3A_22 = arith.constant 0 : i32
    %dma_start3A_23 = arith.constant 0 : i32
    %dma_start3A_24 = tpu.memref_slice %arg6[%dma_start3A_20, %dma_start3A_22, %dma_start3A_23] : memref<5x128x128xf32, #tpu.memory_space<vmem>> -> memref<1x128x128xf32, #tpu.memory_space<vmem>>
    %dma_start3A_25 = tpu.memref_squeeze %dma_start3A_24 : memref<1x128x128xf32, #tpu.memory_space<vmem>> -> memref<128x128xf32, #tpu.memory_space<vmem>>
    %dma_start3A_26 = arith.constant 0 : i32
    %dma_start3A_27 = tpu.memref_slice %arg5[%dma_start3A_19, %dma_start3A_26] : memref<50x128xi32, #tpu.memory_space<vmem>> -> memref<1x128xi32, #tpu.memory_space<vmem>>
    %dma_start3A_28 = tpu.memref_squeeze %dma_start3A_27 : memref<1x128xi32, #tpu.memory_space<vmem>> -> memref<128xi32, #tpu.memory_space<vmem>>
    %dma_start3A_29 = arith.constant 0 : i32
    %dma_start3A_30 = arith.constant 0 : i32
    %dma_start3A_31 = tpu.memref_slice %arg7[%dma_start3A_29, %dma_start3A_30] : memref<1000x128xf32, #tpu.memory_space<vmem_shared>> -> memref<1000x128xf32, #tpu.memory_space<vmem_shared>>
    %dma_start3A_32 = tpu.memref_slice %arg8[%dma_start3A_21] : memref<5x!tpu.dma_semaphore, #tpu.memory_space<semaphore_mem>> -> memref<1x!tpu.dma_semaphore, #tpu.memory_space<semaphore_mem>>
    %dma_start3A_33 = tpu.memref_squeeze %dma_start3A_32 : memref<1x!tpu.dma_semaphore, #tpu.memory_space<semaphore_mem>> -> memref<!tpu.dma_semaphore, #tpu.memory_space<semaphore_mem>>
    tpu.enqueue_indirect_dma source(%dma_start3A_31 : memref<1000x128xf32, #tpu.memory_space<vmem_shared>>) target(%dma_start3A_25 : memref<128x128xf32, #tpu.memory_space<vmem>>) offsets(%dma_start3A_28 : memref<128xi32, #tpu.memory_space<vmem>>) semaphore(%dma_start3A_33 : memref<!tpu.dma_semaphore, #tpu.memory_space<semaphore_mem>>)
    %dma_start3A_34 = arith.constant 2 : i32
    %dma_start3A_35 = arith.constant 2 : i32
    %dma_start3A_36 = arith.constant 2 : i32
    %dma_start3A_37 = arith.constant 0 : i32
    %dma_start3A_38 = arith.constant 0 : i32
    %dma_start3A_39 = tpu.memref_slice %arg6[%dma_start3A_35, %dma_start3A_37, %dma_start3A_38] : memref<5x128x128xf32, #tpu.memory_space<vmem>> -> memref<1x128x128xf32, #tpu.memory_space<vmem>>
    %dma_start3A_40 = tpu.memref_squeeze %dma_start3A_39 : memref<1x128x128xf32, #tpu.memory_space<vmem>> -> memref<128x128xf32, #tpu.memory_space<vmem>>
    %dma_start3A_41 = arith.constant 0 : i32
    %dma_start3A_42 = tpu.memref_slice %arg5[%dma_start3A_34, %dma_start3A_41] : memref<50x128xi32, #tpu.memory_space<vmem>> -> memref<1x128xi32, #tpu.memory_space<vmem>>
    %dma_start3A_43 = tpu.memref_squeeze %dma_start3A_42 : memref<1x128xi32, #tpu.memory_space<vmem>> -> memref<128xi32, #tpu.memory_space<vmem>>
    %dma_start3A_44 = arith.constant 0 : i32
    %dma_start3A_45 = arith.constant 0 : i32
    %dma_start3A_46 = tpu.memref_slice %arg7[%dma_start3A_44, %dma_start3A_45] : memref<1000x128xf32, #tpu.memory_space<vmem_shared>> -> memref<1000x128xf32, #tpu.memory_space<vmem_shared>>
    %dma_start3A_47 = tpu.memref_slice %arg8[%dma_start3A_36] : memref<5x!tpu.dma_semaphore, #tpu.memory_space<semaphore_mem>> -> memref<1x!tpu.dma_semaphore, #tpu.memory_space<semaphore_mem>>
    %dma_start3A_48 = tpu.memref_squeeze %dma_start3A_47 : memref<1x!tpu.dma_semaphore, #tpu.memory_space<semaphore_mem>> -> memref<!tpu.dma_semaphore, #tpu.memory_space<semaphore_mem>>
    tpu.enqueue_indirect_dma source(%dma_start3A_46 : memref<1000x128xf32, #tpu.memory_space<vmem_shared>>) target(%dma_start3A_40 : memref<128x128xf32, #tpu.memory_space<vmem>>) offsets(%dma_start3A_43 : memref<128xi32, #tpu.memory_space<vmem>>) semaphore(%dma_start3A_48 : memref<!tpu.dma_semaphore, #tpu.memory_space<semaphore_mem>>)
    %dma_wait3A = arith.constant 0 : i32
    %dma_wait3A_49 = arith.constant 0 : i32
    %dma_wait3A_50 = arith.constant 0 : i32
    %dma_wait3A_51 = arith.constant 0 : i32
    %dma_wait3A_52 = arith.constant 0 : i32
    %dma_wait3A_53 = tpu.memref_slice %arg6[%dma_wait3A_49, %dma_wait3A_51, %dma_wait3A_52] : memref<5x128x128xf32, #tpu.memory_space<vmem>> -> memref<1x128x128xf32, #tpu.memory_space<vmem>>
    %dma_wait3A_54 = tpu.memref_squeeze %dma_wait3A_53 : memref<1x128x128xf32, #tpu.memory_space<vmem>> -> memref<128x128xf32, #tpu.memory_space<vmem>>
    %dma_wait3A_55 = arith.constant 0 : i32
    %dma_wait3A_56 = tpu.memref_slice %arg5[%dma_wait3A, %dma_wait3A_55] : memref<50x128xi32, #tpu.memory_space<vmem>> -> memref<1x128xi32, #tpu.memory_space<vmem>>
    %dma_wait3A_57 = tpu.memref_squeeze %dma_wait3A_56 : memref<1x128xi32, #tpu.memory_space<vmem>> -> memref<128xi32, #tpu.memory_space<vmem>>
    %dma_wait3A_58 = arith.constant 0 : i32
    %dma_wait3A_59 = arith.constant 0 : i32
    %dma_wait3A_60 = tpu.memref_slice %arg7[%dma_wait3A_58, %dma_wait3A_59] : memref<1000x128xf32, #tpu.memory_space<vmem_shared>> -> memref<1000x128xf32, #tpu.memory_space<vmem_shared>>
    %dma_wait3A_61 = tpu.memref_slice %arg8[%dma_wait3A_50] : memref<5x!tpu.dma_semaphore, #tpu.memory_space<semaphore_mem>> -> memref<1x!tpu.dma_semaphore, #tpu.memory_space<semaphore_mem>>
    %dma_wait3A_62 = tpu.memref_squeeze %dma_wait3A_61 : memref<1x!tpu.dma_semaphore, #tpu.memory_space<semaphore_mem>> -> memref<!tpu.dma_semaphore, #tpu.memory_space<semaphore_mem>>
    tpu.wait_indirect_dma semaphore(%dma_wait3A_62 : memref<!tpu.dma_semaphore, #tpu.memory_space<semaphore_mem>>) src(%dma_wait3A_60 : memref<1000x128xf32, #tpu.memory_space<vmem_shared>>) dst(%dma_wait3A_54 : memref<128x128xf32, #tpu.memory_space<vmem>>)
    %dma_start3A_63 = arith.constant 0 : i32
    %dma_start3A_64 = arith.constant 0 : i32
    %dma_start3A_65 = arith.constant 0 : i32
    %dma_start3A_66 = arith.constant 0 : i32
    %dma_start3A_67 = arith.constant 0 : i32
    %dma_start3A_68 = tpu.memref_slice %arg6[%dma_start3A_63, %dma_start3A_66, %dma_start3A_67] : memref<5x128x128xf32, #tpu.memory_space<vmem>> -> memref<1x128x128xf32, #tpu.memory_space<vmem>>
    %dma_start3A_69 = tpu.memref_squeeze %dma_start3A_68 : memref<1x128x128xf32, #tpu.memory_space<vmem>> -> memref<128x128xf32, #tpu.memory_space<vmem>>
    %dma_start3A_70 = arith.constant 0 : i32
    %dma_start3A_71 = tpu.memref_slice %arg4[%dma_start3A_64, %mul3A_2, %dma_start3A_70] : memref<50x4096x128xf32, #tpu.memory_space<hbm>> -> memref<1x128x128xf32, #tpu.memory_space<hbm>>
    %dma_start3A_72 = tpu.memref_squeeze %dma_start3A_71 : memref<1x128x128xf32, #tpu.memory_space<hbm>> -> memref<128x128xf32, #tpu.memory_space<hbm>>
    %dma_start3A_73 = tpu.memref_slice %arg9[%dma_start3A_65] : memref<5x!tpu.dma_semaphore, #tpu.memory_space<semaphore_mem>> -> memref<1x!tpu.dma_semaphore, #tpu.memory_space<semaphore_mem>>
    %dma_start3A_74 = tpu.memref_squeeze %dma_start3A_73 : memref<1x!tpu.dma_semaphore, #tpu.memory_space<semaphore_mem>> -> memref<!tpu.dma_semaphore, #tpu.memory_space<semaphore_mem>>
    %dma_start3A_75 = arith.constant 0 : i32
    %dma_start3A_76 = tpu.memref_slice %arg4[%dma_start3A_64, %mul3A_2, %dma_start3A_75] : memref<50x4096x128xf32, #tpu.memory_space<hbm>> -> memref<1x128x128xf32, #tpu.memory_space<hbm>>
    %dma_start3A_77 = tpu.memref_squeeze %dma_start3A_76 : memref<1x128x128xf32, #tpu.memory_space<hbm>> -> memref<128x128xf32, #tpu.memory_space<hbm>>
    %dma_start3A_78 = arith.constant 0 : i32
    %dma_start3A_79 = arith.constant 0 : i32
    %dma_start3A_80 = tpu.memref_slice %arg6[%dma_start3A_63, %dma_start3A_78, %dma_start3A_79] : memref<5x128x128xf32, #tpu.memory_space<vmem>> -> memref<1x128x128xf32, #tpu.memory_space<vmem>>
    %dma_start3A_81 = tpu.memref_squeeze %dma_start3A_80 : memref<1x128x128xf32, #tpu.memory_space<vmem>> -> memref<128x128xf32, #tpu.memory_space<vmem>>
    tpu.enqueue_dma source(%dma_start3A_81 : memref<128x128xf32, #tpu.memory_space<vmem>>) target(%dma_start3A_77 : memref<128x128xf32, #tpu.memory_space<hbm>>) target_semaphore(%dma_start3A_74 : memref<!tpu.dma_semaphore, #tpu.memory_space<semaphore_mem>>)
    %dma_start3A_82 = arith.constant 3 : i32
    %dma_start3A_83 = arith.constant 3 : i32
    %dma_start3A_84 = arith.constant 3 : i32
    %dma_start3A_85 = arith.constant 0 : i32
    %dma_start3A_86 = arith.constant 0 : i32
    %dma_start3A_87 = tpu.memref_slice %arg6[%dma_start3A_83, %dma_start3A_85, %dma_start3A_86] : memref<5x128x128xf32, #tpu.memory_space<vmem>> -> memref<1x128x128xf32, #tpu.memory_space<vmem>>
    %dma_start3A_88 = tpu.memref_squeeze %dma_start3A_87 : memref<1x128x128xf32, #tpu.memory_space<vmem>> -> memref<128x128xf32, #tpu.memory_space<vmem>>
    %dma_start3A_89 = arith.constant 0 : i32
    %dma_start3A_90 = tpu.memref_slice %arg5[%dma_start3A_82, %dma_start3A_89] : memref<50x128xi32, #tpu.memory_space<vmem>> -> memref<1x128xi32, #tpu.memory_space<vmem>>
    %dma_start3A_91 = tpu.memref_squeeze %dma_start3A_90 : memref<1x128xi32, #tpu.memory_space<vmem>> -> memref<128xi32, #tpu.memory_space<vmem>>
    %dma_start3A_92 = arith.constant 0 : i32
    %dma_start3A_93 = arith.constant 0 : i32
    %dma_start3A_94 = tpu.memref_slice %arg7[%dma_start3A_92, %dma_start3A_93] : memref<1000x128xf32, #tpu.memory_space<vmem_shared>> -> memref<1000x128xf32, #tpu.memory_space<vmem_shared>>
    %dma_start3A_95 = tpu.memref_slice %arg8[%dma_start3A_84] : memref<5x!tpu.dma_semaphore, #tpu.memory_space<semaphore_mem>> -> memref<1x!tpu.dma_semaphore, #tpu.memory_space<semaphore_mem>>
    %dma_start3A_96 = tpu.memref_squeeze %dma_start3A_95 : memref<1x!tpu.dma_semaphore, #tpu.memory_space<semaphore_mem>> -> memref<!tpu.dma_semaphore, #tpu.memory_space<semaphore_mem>>
    tpu.enqueue_indirect_dma source(%dma_start3A_94 : memref<1000x128xf32, #tpu.memory_space<vmem_shared>>) target(%dma_start3A_88 : memref<128x128xf32, #tpu.memory_space<vmem>>) offsets(%dma_start3A_91 : memref<128xi32, #tpu.memory_space<vmem>>) semaphore(%dma_start3A_96 : memref<!tpu.dma_semaphore, #tpu.memory_space<semaphore_mem>>)
    %dma_wait3A_97 = arith.constant 1 : i32
    %dma_wait3A_98 = arith.constant 1 : i32
    %dma_wait3A_99 = arith.constant 1 : i32
    %dma_wait3A_100 = arith.constant 0 : i32
    %dma_wait3A_101 = arith.constant 0 : i32
    %dma_wait3A_102 = tpu.memref_slice %arg6[%dma_wait3A_98, %dma_wait3A_100, %dma_wait3A_101] : memref<5x128x128xf32, #tpu.memory_space<vmem>> -> memref<1x128x128xf32, #tpu.memory_space<vmem>>
    %dma_wait3A_103 = tpu.memref_squeeze %dma_wait3A_102 : memref<1x128x128xf32, #tpu.memory_space<vmem>> -> memref<128x128xf32, #tpu.memory_space<vmem>>
    %dma_wait3A_104 = arith.constant 0 : i32
    %dma_wait3A_105 = tpu.memref_slice %arg5[%dma_wait3A_97, %dma_wait3A_104] : memref<50x128xi32, #tpu.memory_space<vmem>> -> memref<1x128xi32, #tpu.memory_space<vmem>>
    %dma_wait3A_106 = tpu.memref_squeeze %dma_wait3A_105 : memref<1x128xi32, #tpu.memory_space<vmem>> -> memref<128xi32, #tpu.memory_space<vmem>>
    %dma_wait3A_107 = arith.constant 0 : i32
    %dma_wait3A_108 = arith.constant 0 : i32
    %dma_wait3A_109 = tpu.memref_slice %arg7[%dma_wait3A_107, %dma_wait3A_108] : memref<1000x128xf32, #tpu.memory_space<vmem_shared>> -> memref<1000x128xf32, #tpu.memory_space<vmem_shared>>
    %dma_wait3A_110 = tpu.memref_slice %arg8[%dma_wait3A_99] : memref<5x!tpu.dma_semaphore, #tpu.memory_space<semaphore_mem>> -> memref<1x!tpu.dma_semaphore, #tpu.memory_space<semaphore_mem>>
    %dma_wait3A_111 = tpu.memref_squeeze %dma_wait3A_110 : memref<1x!tpu.dma_semaphore, #tpu.memory_space<semaphore_mem>> -> memref<!tpu.dma_semaphore, #tpu.memory_space<semaphore_mem>>
    tpu.wait_indirect_dma semaphore(%dma_wait3A_111 : memref<!tpu.dma_semaphore, #tpu.memory_space<semaphore_mem>>) src(%dma_wait3A_109 : memref<1000x128xf32, #tpu.memory_space<vmem_shared>>) dst(%dma_wait3A_103 : memref<128x128xf32, #tpu.memory_space<vmem>>)
    %dma_start3A_112 = arith.constant 1 : i32
    %dma_start3A_113 = arith.constant 1 : i32
    %dma_start3A_114 = arith.constant 1 : i32
    %dma_start3A_115 = arith.constant 0 : i32
    %dma_start3A_116 = arith.constant 0 : i32
    %dma_start3A_117 = tpu.memref_slice %arg6[%dma_start3A_112, %dma_start3A_115, %dma_start3A_116] : memref<5x128x128xf32, #tpu.memory_space<vmem>> -> memref<1x128x128xf32, #tpu.memory_space<vmem>>
    %dma_start3A_118 = tpu.memref_squeeze %dma_start3A_117 : memref<1x128x128xf32, #tpu.memory_space<vmem>> -> memref<128x128xf32, #tpu.memory_space<vmem>>
    %dma_start3A_119 = arith.constant 0 : i32
    %dma_start3A_120 = tpu.memref_slice %arg4[%dma_start3A_113, %mul3A_2, %dma_start3A_119] : memref<50x4096x128xf32, #tpu.memory_space<hbm>> -> memref<1x128x128xf32, #tpu.memory_space<hbm>>
    %dma_start3A_121 = tpu.memref_squeeze %dma_start3A_120 : memref<1x128x128xf32, #tpu.memory_space<hbm>> -> memref<128x128xf32, #tpu.memory_space<hbm>>
    %dma_start3A_122 = tpu.memref_slice %arg9[%dma_start3A_114] : memref<5x!tpu.dma_semaphore, #tpu.memory_space<semaphore_mem>> -> memref<1x!tpu.dma_semaphore, #tpu.memory_space<semaphore_mem>>
    %dma_start3A_123 = tpu.memref_squeeze %dma_start3A_122 : memref<1x!tpu.dma_semaphore, #tpu.memory_space<semaphore_mem>> -> memref<!tpu.dma_semaphore, #tpu.memory_space<semaphore_mem>>
    %dma_start3A_124 = arith.constant 0 : i32
    %dma_start3A_125 = tpu.memref_slice %arg4[%dma_start3A_113, %mul3A_2, %dma_start3A_124] : memref<50x4096x128xf32, #tpu.memory_space<hbm>> -> memref<1x128x128xf32, #tpu.memory_space<hbm>>
    %dma_start3A_126 = tpu.memref_squeeze %dma_start3A_125 : memref<1x128x128xf32, #tpu.memory_space<hbm>> -> memref<128x128xf32, #tpu.memory_space<hbm>>
    %dma_start3A_127 = arith.constant 0 : i32
    %dma_start3A_128 = arith.constant 0 : i32
    %dma_start3A_129 = tpu.memref_slice %arg6[%dma_start3A_112, %dma_start3A_127, %dma_start3A_128] : memref<5x128x128xf32, #tpu.memory_space<vmem>> -> memref<1x128x128xf32, #tpu.memory_space<vmem>>
    %dma_start3A_130 = tpu.memref_squeeze %dma_start3A_129 : memref<1x128x128xf32, #tpu.memory_space<vmem>> -> memref<128x128xf32, #tpu.memory_space<vmem>>
    tpu.enqueue_dma source(%dma_start3A_130 : memref<128x128xf32, #tpu.memory_space<vmem>>) target(%dma_start3A_126 : memref<128x128xf32, #tpu.memory_space<hbm>>) target_semaphore(%dma_start3A_123 : memref<!tpu.dma_semaphore, #tpu.memory_space<semaphore_mem>>)
    %dma_start3A_131 = arith.constant 4 : i32
    %dma_start3A_132 = arith.constant 4 : i32
    %dma_start3A_133 = arith.constant 4 : i32
    %dma_start3A_134 = arith.constant 0 : i32
    %dma_start3A_135 = arith.constant 0 : i32
    %dma_start3A_136 = tpu.memref_slice %arg6[%dma_start3A_132, %dma_start3A_134, %dma_start3A_135] : memref<5x128x128xf32, #tpu.memory_space<vmem>> -> memref<1x128x128xf32, #tpu.memory_space<vmem>>
    %dma_start3A_137 = tpu.memref_squeeze %dma_start3A_136 : memref<1x128x128xf32, #tpu.memory_space<vmem>> -> memref<128x128xf32, #tpu.memory_space<vmem>>
    %dma_start3A_138 = arith.constant 0 : i32
    %dma_start3A_139 = tpu.memref_slice %arg5[%dma_start3A_131, %dma_start3A_138] : memref<50x128xi32, #tpu.memory_space<vmem>> -> memref<1x128xi32, #tpu.memory_space<vmem>>
    %dma_start3A_140 = tpu.memref_squeeze %dma_start3A_139 : memref<1x128xi32, #tpu.memory_space<vmem>> -> memref<128xi32, #tpu.memory_space<vmem>>
    %dma_start3A_141 = arith.constant 0 : i32
    %dma_start3A_142 = arith.constant 0 : i32
    %dma_start3A_143 = tpu.memref_slice %arg7[%dma_start3A_141, %dma_start3A_142] : memref<1000x128xf32, #tpu.memory_space<vmem_shared>> -> memref<1000x128xf32, #tpu.memory_space<vmem_shared>>
    %dma_start3A_144 = tpu.memref_slice %arg8[%dma_start3A_133] : memref<5x!tpu.dma_semaphore, #tpu.memory_space<semaphore_mem>> -> memref<1x!tpu.dma_semaphore, #tpu.memory_space<semaphore_mem>>
    %dma_start3A_145 = tpu.memref_squeeze %dma_start3A_144 : memref<1x!tpu.dma_semaphore, #tpu.memory_space<semaphore_mem>> -> memref<!tpu.dma_semaphore, #tpu.memory_space<semaphore_mem>>
    tpu.enqueue_indirect_dma source(%dma_start3A_143 : memref<1000x128xf32, #tpu.memory_space<vmem_shared>>) target(%dma_start3A_137 : memref<128x128xf32, #tpu.memory_space<vmem>>) offsets(%dma_start3A_140 : memref<128xi32, #tpu.memory_space<vmem>>) semaphore(%dma_start3A_145 : memref<!tpu.dma_semaphore, #tpu.memory_space<semaphore_mem>>)
    %dma_wait3A_146 = arith.constant 2 : i32
    %dma_wait3A_147 = arith.constant 2 : i32
    %dma_wait3A_148 = arith.constant 2 : i32
    %dma_wait3A_149 = arith.constant 0 : i32
    %dma_wait3A_150 = arith.constant 0 : i32
    %dma_wait3A_151 = tpu.memref_slice %arg6[%dma_wait3A_147, %dma_wait3A_149, %dma_wait3A_150] : memref<5x128x128xf32, #tpu.memory_space<vmem>> -> memref<1x128x128xf32, #tpu.memory_space<vmem>>
    %dma_wait3A_152 = tpu.memref_squeeze %dma_wait3A_151 : memref<1x128x128xf32, #tpu.memory_space<vmem>> -> memref<128x128xf32, #tpu.memory_space<vmem>>
    %dma_wait3A_153 = arith.constant 0 : i32
    %dma_wait3A_154 = tpu.memref_slice %arg5[%dma_wait3A_146, %dma_wait3A_153] : memref<50x128xi32, #tpu.memory_space<vmem>> -> memref<1x128xi32, #tpu.memory_space<vmem>>
    %dma_wait3A_155 = tpu.memref_squeeze %dma_wait3A_154 : memref<1x128xi32, #tpu.memory_space<vmem>> -> memref<128xi32, #tpu.memory_space<vmem>>
    %dma_wait3A_156 = arith.constant 0 : i32
    %dma_wait3A_157 = arith.constant 0 : i32
    %dma_wait3A_158 = tpu.memref_slice %arg7[%dma_wait3A_156, %dma_wait3A_157] : memref<1000x128xf32, #tpu.memory_space<vmem_shared>> -> memref<1000x128xf32, #tpu.memory_space<vmem_shared>>
    %dma_wait3A_159 = tpu.memref_slice %arg8[%dma_wait3A_148] : memref<5x!tpu.dma_semaphore, #tpu.memory_space<semaphore_mem>> -> memref<1x!tpu.dma_semaphore, #tpu.memory_space<semaphore_mem>>
    %dma_wait3A_160 = tpu.memref_squeeze %dma_wait3A_159 : memref<1x!tpu.dma_semaphore, #tpu.memory_space<semaphore_mem>> -> memref<!tpu.dma_semaphore, #tpu.memory_space<semaphore_mem>>
    tpu.wait_indirect_dma semaphore(%dma_wait3A_160 : memref<!tpu.dma_semaphore, #tpu.memory_space<semaphore_mem>>) src(%dma_wait3A_158 : memref<1000x128xf32, #tpu.memory_space<vmem_shared>>) dst(%dma_wait3A_152 : memref<128x128xf32, #tpu.memory_space<vmem>>)
    %dma_start3A_161 = arith.constant 2 : i32
    %dma_start3A_162 = arith.constant 2 : i32
    %dma_start3A_163 = arith.constant 2 : i32
    %dma_start3A_164 = arith.constant 0 : i32
    %dma_start3A_165 = arith.constant 0 : i32
    %dma_start3A_166 = tpu.memref_slice %arg6[%dma_start3A_161, %dma_start3A_164, %dma_start3A_165] : memref<5x128x128xf32, #tpu.memory_space<vmem>> -> memref<1x128x128xf32, #tpu.memory_space<vmem>>
    %dma_start3A_167 = tpu.memref_squeeze %dma_start3A_166 : memref<1x128x128xf32, #tpu.memory_space<vmem>> -> memref<128x128xf32, #tpu.memory_space<vmem>>
    %dma_start3A_168 = arith.constant 0 : i32
    %dma_start3A_169 = tpu.memref_slice %arg4[%dma_start3A_162, %mul3A_2, %dma_start3A_168] : memref<50x4096x128xf32, #tpu.memory_space<hbm>> -> memref<1x128x128xf32, #tpu.memory_space<hbm>>
    %dma_start3A_170 = tpu.memref_squeeze %dma_start3A_169 : memref<1x128x128xf32, #tpu.memory_space<hbm>> -> memref<128x128xf32, #tpu.memory_space<hbm>>
    %dma_start3A_171 = tpu.memref_slice %arg9[%dma_start3A_163] : memref<5x!tpu.dma_semaphore, #tpu.memory_space<semaphore_mem>> -> memref<1x!tpu.dma_semaphore, #tpu.memory_space<semaphore_mem>>
    %dma_start3A_172 = tpu.memref_squeeze %dma_start3A_171 : memref<1x!tpu.dma_semaphore, #tpu.memory_space<semaphore_mem>> -> memref<!tpu.dma_semaphore, #tpu.memory_space<semaphore_mem>>
    %dma_start3A_173 = arith.constant 0 : i32
    %dma_start3A_174 = tpu.memref_slice %arg4[%dma_start3A_162, %mul3A_2, %dma_start3A_173] : memref<50x4096x128xf32, #tpu.memory_space<hbm>> -> memref<1x128x128xf32, #tpu.memory_space<hbm>>
    %dma_start3A_175 = tpu.memref_squeeze %dma_start3A_174 : memref<1x128x128xf32, #tpu.memory_space<hbm>> -> memref<128x128xf32, #tpu.memory_space<hbm>>
    %dma_start3A_176 = arith.constant 0 : i32
    %dma_start3A_177 = arith.constant 0 : i32
    %dma_start3A_178 = tpu.memref_slice %arg6[%dma_start3A_161, %dma_start3A_176, %dma_start3A_177] : memref<5x128x128xf32, #tpu.memory_space<vmem>> -> memref<1x128x128xf32, #tpu.memory_space<vmem>>
    %dma_start3A_179 = tpu.memref_squeeze %dma_start3A_178 : memref<1x128x128xf32, #tpu.memory_space<vmem>> -> memref<128x128xf32, #tpu.memory_space<vmem>>
    tpu.enqueue_dma source(%dma_start3A_179 : memref<128x128xf32, #tpu.memory_space<vmem>>) target(%dma_start3A_175 : memref<128x128xf32, #tpu.memory_space<hbm>>) target_semaphore(%dma_start3A_172 : memref<!tpu.dma_semaphore, #tpu.memory_space<semaphore_mem>>)
    %dma_wait3A_180 = arith.constant 0 : i32
    %dma_wait3A_181 = arith.constant 0 : i32
    %dma_wait3A_182 = arith.constant 0 : i32
    %dma_wait3A_183 = arith.constant 0 : i32
    %dma_wait3A_184 = arith.constant 0 : i32
    %dma_wait3A_185 = tpu.memref_slice %arg6[%dma_wait3A_180, %dma_wait3A_183, %dma_wait3A_184] : memref<5x128x128xf32, #tpu.memory_space<vmem>> -> memref<1x128x128xf32, #tpu.memory_space<vmem>>
    %dma_wait3A_186 = tpu.memref_squeeze %dma_wait3A_185 : memref<1x128x128xf32, #tpu.memory_space<vmem>> -> memref<128x128xf32, #tpu.memory_space<vmem>>
    %dma_wait3A_187 = arith.constant 0 : i32
    %dma_wait3A_188 = tpu.memref_slice %arg4[%dma_wait3A_181, %mul3A_2, %dma_wait3A_187] : memref<50x4096x128xf32, #tpu.memory_space<hbm>> -> memref<1x128x128xf32, #tpu.memory_space<hbm>>
    %dma_wait3A_189 = tpu.memref_squeeze %dma_wait3A_188 : memref<1x128x128xf32, #tpu.memory_space<hbm>> -> memref<128x128xf32, #tpu.memory_space<hbm>>
    %dma_wait3A_190 = tpu.memref_slice %arg9[%dma_wait3A_182] : memref<5x!tpu.dma_semaphore, #tpu.memory_space<semaphore_mem>> -> memref<1x!tpu.dma_semaphore, #tpu.memory_space<semaphore_mem>>
    %dma_wait3A_191 = tpu.memref_squeeze %dma_wait3A_190 : memref<1x!tpu.dma_semaphore, #tpu.memory_space<semaphore_mem>> -> memref<!tpu.dma_semaphore, #tpu.memory_space<semaphore_mem>>
    %dma_wait3A_192 = arith.constant 0 : i32
    %dma_wait3A_193 = tpu.memref_slice %arg4[%dma_wait3A_181, %mul3A_2, %dma_wait3A_192] : memref<50x4096x128xf32, #tpu.memory_space<hbm>> -> memref<1x128x128xf32, #tpu.memory_space<hbm>>
    %dma_wait3A_194 = tpu.memref_squeeze %dma_wait3A_193 : memref<1x128x128xf32, #tpu.memory_space<hbm>> -> memref<128x128xf32, #tpu.memory_space<hbm>>
    %dma_wait3A_195 = arith.constant 0 : i32
    %dma_wait3A_196 = arith.constant 0 : i32
    %dma_wait3A_197 = tpu.memref_slice %arg6[%dma_wait3A_180, %dma_wait3A_195, %dma_wait3A_196] : memref<5x128x128xf32, #tpu.memory_space<vmem>> -> memref<1x128x128xf32, #tpu.memory_space<vmem>>
    %dma_wait3A_198 = tpu.memref_squeeze %dma_wait3A_197 : memref<1x128x128xf32, #tpu.memory_space<vmem>> -> memref<128x128xf32, #tpu.memory_space<vmem>>
    tpu.wait_dma2 semaphore(%dma_wait3A_191 : memref<!tpu.dma_semaphore, #tpu.memory_space<semaphore_mem>>) src(%dma_wait3A_198 : memref<128x128xf32, #tpu.memory_space<vmem>>) dst(%dma_wait3A_194 : memref<128x128xf32, #tpu.memory_space<hbm>>)
    %dma_start3A_199 = arith.constant 5 : i32
    %dma_start3A_200 = arith.constant 0 : i32
    %dma_start3A_201 = arith.constant 0 : i32
    %dma_start3A_202 = arith.constant 0 : i32
    %dma_start3A_203 = arith.constant 0 : i32
    %dma_start3A_204 = tpu.memref_slice %arg6[%dma_start3A_200, %dma_start3A_202, %dma_start3A_203] : memref<5x128x128xf32, #tpu.memory_space<vmem>> -> memref<1x128x128xf32, #tpu.memory_space<vmem>>
    %dma_start3A_205 = tpu.memref_squeeze %dma_start3A_204 : memref<1x128x128xf32, #tpu.memory_space<vmem>> -> memref<128x128xf32, #tpu.memory_space<vmem>>
    %dma_start3A_206 = arith.constant 0 : i32
    %dma_start3A_207 = tpu.memref_slice %arg5[%dma_start3A_199, %dma_start3A_206] : memref<50x128xi32, #tpu.memory_space<vmem>> -> memref<1x128xi32, #tpu.memory_space<vmem>>
    %dma_start3A_208 = tpu.memref_squeeze %dma_start3A_207 : memref<1x128xi32, #tpu.memory_space<vmem>> -> memref<128xi32, #tpu.memory_space<vmem>>
    %dma_start3A_209 = arith.constant 0 : i32
    %dma_start3A_210 = arith.constant 0 : i32
    %dma_start3A_211 = tpu.memref_slice %arg7[%dma_start3A_209, %dma_start3A_210] : memref<1000x128xf32, #tpu.memory_space<vmem_shared>> -> memref<1000x128xf32, #tpu.memory_space<vmem_shared>>
    %dma_start3A_212 = tpu.memref_slice %arg8[%dma_start3A_201] : memref<5x!tpu.dma_semaphore, #tpu.memory_space<semaphore_mem>> -> memref<1x!tpu.dma_semaphore, #tpu.memory_space<semaphore_mem>>
    %dma_start3A_213 = tpu.memref_squeeze %dma_start3A_212 : memref<1x!tpu.dma_semaphore, #tpu.memory_space<semaphore_mem>> -> memref<!tpu.dma_semaphore, #tpu.memory_space<semaphore_mem>>
    tpu.enqueue_indirect_dma source(%dma_start3A_211 : memref<1000x128xf32, #tpu.memory_space<vmem_shared>>) target(%dma_start3A_205 : memref<128x128xf32, #tpu.memory_space<vmem>>) offsets(%dma_start3A_208 : memref<128xi32, #tpu.memory_space<vmem>>) semaphore(%dma_start3A_213 : memref<!tpu.dma_semaphore, #tpu.memory_space<semaphore_mem>>)
    %dma_wait3A_214 = arith.constant 3 : i32
    %dma_wait3A_215 = arith.constant 3 : i32
    %dma_wait3A_216 = arith.constant 3 : i32
    %dma_wait3A_217 = arith.constant 0 : i32
    %dma_wait3A_218 = arith.constant 0 : i32
    %dma_wait3A_219 = tpu.memref_slice %arg6[%dma_wait3A_215, %dma_wait3A_217, %dma_wait3A_218] : memref<5x128x128xf32, #tpu.memory_space<vmem>> -> memref<1x128x128xf32, #tpu.memory_space<vmem>>
    %dma_wait3A_220 = tpu.memref_squeeze %dma_wait3A_219 : memref<1x128x128xf32, #tpu.memory_space<vmem>> -> memref<128x128xf32, #tpu.memory_space<vmem>>
    %dma_wait3A_221 = arith.constant 0 : i32
    %dma_wait3A_222 = tpu.memref_slice %arg5[%dma_wait3A_214, %dma_wait3A_221] : memref<50x128xi32, #tpu.memory_space<vmem>> -> memref<1x128xi32, #tpu.memory_space<vmem>>
    %dma_wait3A_223 = tpu.memref_squeeze %dma_wait3A_222 : memref<1x128xi32, #tpu.memory_space<vmem>> -> memref<128xi32, #tpu.memory_space<vmem>>
    %dma_wait3A_224 = arith.constant 0 : i32
    %dma_wait3A_225 = arith.constant 0 : i32
    %dma_wait3A_226 = tpu.memref_slice %arg7[%dma_wait3A_224, %dma_wait3A_225] : memref<1000x128xf32, #tpu.memory_space<vmem_shared>> -> memref<1000x128xf32, #tpu.memory_space<vmem_shared>>
    %dma_wait3A_227 = tpu.memref_slice %arg8[%dma_wait3A_216] : memref<5x!tpu.dma_semaphore, #tpu.memory_space<semaphore_mem>> -> memref<1x!tpu.dma_semaphore, #tpu.memory_space<semaphore_mem>>
    %dma_wait3A_228 = tpu.memref_squeeze %dma_wait3A_227 : memref<1x!tpu.dma_semaphore, #tpu.memory_space<semaphore_mem>> -> memref<!tpu.dma_semaphore, #tpu.memory_space<semaphore_mem>>
    tpu.wait_indirect_dma semaphore(%dma_wait3A_228 : memref<!tpu.dma_semaphore, #tpu.memory_space<semaphore_mem>>) src(%dma_wait3A_226 : memref<1000x128xf32, #tpu.memory_space<vmem_shared>>) dst(%dma_wait3A_220 : memref<128x128xf32, #tpu.memory_space<vmem>>)
    %dma_start3A_229 = arith.constant 3 : i32
    %dma_start3A_230 = arith.constant 3 : i32
    %dma_start3A_231 = arith.constant 3 : i32
    %dma_start3A_232 = arith.constant 0 : i32
    %dma_start3A_233 = arith.constant 0 : i32
    %dma_start3A_234 = tpu.memref_slice %arg6[%dma_start3A_229, %dma_start3A_232, %dma_start3A_233] : memref<5x128x128xf32, #tpu.memory_space<vmem>> -> memref<1x128x128xf32, #tpu.memory_space<vmem>>
    %dma_start3A_235 = tpu.memref_squeeze %dma_start3A_234 : memref<1x128x128xf32, #tpu.memory_space<vmem>> -> memref<128x128xf32, #tpu.memory_space<vmem>>
    %dma_start3A_236 = arith.constant 0 : i32
    %dma_start3A_237 = tpu.memref_slice %arg4[%dma_start3A_230, %mul3A_2, %dma_start3A_236] : memref<50x4096x128xf32, #tpu.memory_space<hbm>> -> memref<1x128x128xf32, #tpu.memory_space<hbm>>
    %dma_start3A_238 = tpu.memref_squeeze %dma_start3A_237 : memref<1x128x128xf32, #tpu.memory_space<hbm>> -> memref<128x128xf32, #tpu.memory_space<hbm>>
    %dma_start3A_239 = tpu.memref_slice %arg9[%dma_start3A_231] : memref<5x!tpu.dma_semaphore, #tpu.memory_space<semaphore_mem>> -> memref<1x!tpu.dma_semaphore, #tpu.memory_space<semaphore_mem>>
    %dma_start3A_240 = tpu.memref_squeeze %dma_start3A_239 : memref<1x!tpu.dma_semaphore, #tpu.memory_space<semaphore_mem>> -> memref<!tpu.dma_semaphore, #tpu.memory_space<semaphore_mem>>
    %dma_start3A_241 = arith.constant 0 : i32
    %dma_start3A_242 = tpu.memref_slice %arg4[%dma_start3A_230, %mul3A_2, %dma_start3A_241] : memref<50x4096x128xf32, #tpu.memory_space<hbm>> -> memref<1x128x128xf32, #tpu.memory_space<hbm>>
    %dma_start3A_243 = tpu.memref_squeeze %dma_start3A_242 : memref<1x128x128xf32, #tpu.memory_space<hbm>> -> memref<128x128xf32, #tpu.memory_space<hbm>>
    %dma_start3A_244 = arith.constant 0 : i32
    %dma_start3A_245 = arith.constant 0 : i32
    %dma_start3A_246 = tpu.memref_slice %arg6[%dma_start3A_229, %dma_start3A_244, %dma_start3A_245] : memref<5x128x128xf32, #tpu.memory_space<vmem>> -> memref<1x128x128xf32, #tpu.memory_space<vmem>>
    %dma_start3A_247 = tpu.memref_squeeze %dma_start3A_246 : memref<1x128x128xf32, #tpu.memory_space<vmem>> -> memref<128x128xf32, #tpu.memory_space<vmem>>
    tpu.enqueue_dma source(%dma_start3A_247 : memref<128x128xf32, #tpu.memory_space<vmem>>) target(%dma_start3A_243 : memref<128x128xf32, #tpu.memory_space<hbm>>) target_semaphore(%dma_start3A_240 : memref<!tpu.dma_semaphore, #tpu.memory_space<semaphore_mem>>)
    %dma_wait3A_248 = arith.constant 1 : i32
    %dma_wait3A_249 = arith.constant 1 : i32
    %dma_wait3A_250 = arith.constant 1 : i32
    %dma_wait3A_251 = arith.constant 0 : i32
    %dma_wait3A_252 = arith.constant 0 : i32
    %dma_wait3A_253 = tpu.memref_slice %arg6[%dma_wait3A_248, %dma_wait3A_251, %dma_wait3A_252] : memref<5x128x128xf32, #tpu.memory_space<vmem>> -> memref<1x128x128xf32, #tpu.memory_space<vmem>>
    %dma_wait3A_254 = tpu.memref_squeeze %dma_wait3A_253 : memref<1x128x128xf32, #tpu.memory_space<vmem>> -> memref<128x128xf32, #tpu.memory_space<vmem>>
    %dma_wait3A_255 = arith.constant 0 : i32
    %dma_wait3A_256 = tpu.memref_slice %arg4[%dma_wait3A_249, %mul3A_2, %dma_wait3A_255] : memref<50x4096x128xf32, #tpu.memory_space<hbm>> -> memref<1x128x128xf32, #tpu.memory_space<hbm>>
    %dma_wait3A_257 = tpu.memref_squeeze %dma_wait3A_256 : memref<1x128x128xf32, #tpu.memory_space<hbm>> -> memref<128x128xf32, #tpu.memory_space<hbm>>
    %dma_wait3A_258 = tpu.memref_slice %arg9[%dma_wait3A_250] : memref<5x!tpu.dma_semaphore, #tpu.memory_space<semaphore_mem>> -> memref<1x!tpu.dma_semaphore, #tpu.memory_space<semaphore_mem>>
    %dma_wait3A_259 = tpu.memref_squeeze %dma_wait3A_258 : memref<1x!tpu.dma_semaphore, #tpu.memory_space<semaphore_mem>> -> memref<!tpu.dma_semaphore, #tpu.memory_space<semaphore_mem>>
    %dma_wait3A_260 = arith.constant 0 : i32
    %dma_wait3A_261 = tpu.memref_slice %arg4[%dma_wait3A_249, %mul3A_2, %dma_wait3A_260] : memref<50x4096x128xf32, #tpu.memory_space<hbm>> -> memref<1x128x128xf32, #tpu.memory_space<hbm>>
    %dma_wait3A_262 = tpu.memref_squeeze %dma_wait3A_261 : memref<1x128x128xf32, #tpu.memory_space<hbm>> -> memref<128x128xf32, #tpu.memory_space<hbm>>
    %dma_wait3A_263 = arith.constant 0 : i32
    %dma_wait3A_264 = arith.constant 0 : i32
    %dma_wait3A_265 = tpu.memref_slice %arg6[%dma_wait3A_248, %dma_wait3A_263, %dma_wait3A_264] : memref<5x128x128xf32, #tpu.memory_space<vmem>> -> memref<1x128x128xf32, #tpu.memory_space<vmem>>
    %dma_wait3A_266 = tpu.memref_squeeze %dma_wait3A_265 : memref<1x128x128xf32, #tpu.memory_space<vmem>> -> memref<128x128xf32, #tpu.memory_space<vmem>>
    tpu.wait_dma2 semaphore(%dma_wait3A_259 : memref<!tpu.dma_semaphore, #tpu.memory_space<semaphore_mem>>) src(%dma_wait3A_266 : memref<128x128xf32, #tpu.memory_space<vmem>>) dst(%dma_wait3A_262 : memref<128x128xf32, #tpu.memory_space<hbm>>)
    %dma_start3A_267 = arith.constant 6 : i32
    %dma_start3A_268 = arith.constant 1 : i32
    %dma_start3A_269 = arith.constant 1 : i32
    %dma_start3A_270 = arith.constant 0 : i32
    %dma_start3A_271 = arith.constant 0 : i32
    %dma_start3A_272 = tpu.memref_slice %arg6[%dma_start3A_268, %dma_start3A_270, %dma_start3A_271] : memref<5x128x128xf32, #tpu.memory_space<vmem>> -> memref<1x128x128xf32, #tpu.memory_space<vmem>>
    %dma_start3A_273 = tpu.memref_squeeze %dma_start3A_272 : memref<1x128x128xf32, #tpu.memory_space<vmem>> -> memref<128x128xf32, #tpu.memory_space<vmem>>
    %dma_start3A_274 = arith.constant 0 : i32
    %dma_start3A_275 = tpu.memref_slice %arg5[%dma_start3A_267, %dma_start3A_274] : memref<50x128xi32, #tpu.memory_space<vmem>> -> memref<1x128xi32, #tpu.memory_space<vmem>>
    %dma_start3A_276 = tpu.memref_squeeze %dma_start3A_275 : memref<1x128xi32, #tpu.memory_space<vmem>> -> memref<128xi32, #tpu.memory_space<vmem>>
    %dma_start3A_277 = arith.constant 0 : i32
    %dma_start3A_278 = arith.constant 0 : i32
    %dma_start3A_279 = tpu.memref_slice %arg7[%dma_start3A_277, %dma_start3A_278] : memref<1000x128xf32, #tpu.memory_space<vmem_shared>> -> memref<1000x128xf32, #tpu.memory_space<vmem_shared>>
    %dma_start3A_280 = tpu.memref_slice %arg8[%dma_start3A_269] : memref<5x!tpu.dma_semaphore, #tpu.memory_space<semaphore_mem>> -> memref<1x!tpu.dma_semaphore, #tpu.memory_space<semaphore_mem>>
    %dma_start3A_281 = tpu.memref_squeeze %dma_start3A_280 : memref<1x!tpu.dma_semaphore, #tpu.memory_space<semaphore_mem>> -> memref<!tpu.dma_semaphore, #tpu.memory_space<semaphore_mem>>
    tpu.enqueue_indirect_dma source(%dma_start3A_279 : memref<1000x128xf32, #tpu.memory_space<vmem_shared>>) target(%dma_start3A_273 : memref<128x128xf32, #tpu.memory_space<vmem>>) offsets(%dma_start3A_276 : memref<128xi32, #tpu.memory_space<vmem>>) semaphore(%dma_start3A_281 : memref<!tpu.dma_semaphore, #tpu.memory_space<semaphore_mem>>)
    %dma_wait3A_282 = arith.constant 4 : i32
    %dma_wait3A_283 = arith.constant 4 : i32
    %dma_wait3A_284 = arith.constant 4 : i32
    %dma_wait3A_285 = arith.constant 0 : i32
    %dma_wait3A_286 = arith.constant 0 : i32
    %dma_wait3A_287 = tpu.memref_slice %arg6[%dma_wait3A_283, %dma_wait3A_285, %dma_wait3A_286] : memref<5x128x128xf32, #tpu.memory_space<vmem>> -> memref<1x128x128xf32, #tpu.memory_space<vmem>>
    %dma_wait3A_288 = tpu.memref_squeeze %dma_wait3A_287 : memref<1x128x128xf32, #tpu.memory_space<vmem>> -> memref<128x128xf32, #tpu.memory_space<vmem>>
    %dma_wait3A_289 = arith.constant 0 : i32
    %dma_wait3A_290 = tpu.memref_slice %arg5[%dma_wait3A_282, %dma_wait3A_289] : memref<50x128xi32, #tpu.memory_space<vmem>> -> memref<1x128xi32, #tpu.memory_space<vmem>>
    %dma_wait3A_291 = tpu.memref_squeeze %dma_wait3A_290 : memref<1x128xi32, #tpu.memory_space<vmem>> -> memref<128xi32, #tpu.memory_space<vmem>>
    %dma_wait3A_292 = arith.constant 0 : i32
    %dma_wait3A_293 = arith.constant 0 : i32
    %dma_wait3A_294 = tpu.memref_slice %arg7[%dma_wait3A_292, %dma_wait3A_293] : memref<1000x128xf32, #tpu.memory_space<vmem_shared>> -> memref<1000x128xf32, #tpu.memory_space<vmem_shared>>
    %dma_wait3A_295 = tpu.memref_slice %arg8[%dma_wait3A_284] : memref<5x!tpu.dma_semaphore, #tpu.memory_space<semaphore_mem>> -> memref<1x!tpu.dma_semaphore, #tpu.memory_space<semaphore_mem>>
    %dma_wait3A_296 = tpu.memref_squeeze %dma_wait3A_295 : memref<1x!tpu.dma_semaphore, #tpu.memory_space<semaphore_mem>> -> memref<!tpu.dma_semaphore, #tpu.memory_space<semaphore_mem>>
    tpu.wait_indirect_dma semaphore(%dma_wait3A_296 : memref<!tpu.dma_semaphore, #tpu.memory_space<semaphore_mem>>) src(%dma_wait3A_294 : memref<1000x128xf32, #tpu.memory_space<vmem_shared>>) dst(%dma_wait3A_288 : memref<128x128xf32, #tpu.memory_space<vmem>>)
    %dma_start3A_297 = arith.constant 4 : i32
    %dma_start3A_298 = arith.constant 4 : i32
    %dma_start3A_299 = arith.constant 4 : i32
    %dma_start3A_300 = arith.constant 0 : i32
    %dma_start3A_301 = arith.constant 0 : i32
    %dma_start3A_302 = tpu.memref_slice %arg6[%dma_start3A_297, %dma_start3A_300, %dma_start3A_301] : memref<5x128x128xf32, #tpu.memory_space<vmem>> -> memref<1x128x128xf32, #tpu.memory_space<vmem>>
    %dma_start3A_303 = tpu.memref_squeeze %dma_start3A_302 : memref<1x128x128xf32, #tpu.memory_space<vmem>> -> memref<128x128xf32, #tpu.memory_space<vmem>>
    %dma_start3A_304 = arith.constant 0 : i32
    %dma_start3A_305 = tpu.memref_slice %arg4[%dma_start3A_298, %mul3A_2, %dma_start3A_304] : memref<50x4096x128xf32, #tpu.memory_space<hbm>> -> memref<1x128x128xf32, #tpu.memory_space<hbm>>
    %dma_start3A_306 = tpu.memref_squeeze %dma_start3A_305 : memref<1x128x128xf32, #tpu.memory_space<hbm>> -> memref<128x128xf32, #tpu.memory_space<hbm>>
    %dma_start3A_307 = tpu.memref_slice %arg9[%dma_start3A_299] : memref<5x!tpu.dma_semaphore, #tpu.memory_space<semaphore_mem>> -> memref<1x!tpu.dma_semaphore, #tpu.memory_space<semaphore_mem>>
    %dma_start3A_308 = tpu.memref_squeeze %dma_start3A_307 : memref<1x!tpu.dma_semaphore, #tpu.memory_space<semaphore_mem>> -> memref<!tpu.dma_semaphore, #tpu.memory_space<semaphore_mem>>
    %dma_start3A_309 = arith.constant 0 : i32
    %dma_start3A_310 = tpu.memref_slice %arg4[%dma_start3A_298, %mul3A_2, %dma_start3A_309] : memref<50x4096x128xf32, #tpu.memory_space<hbm>> -> memref<1x128x128xf32, #tpu.memory_space<hbm>>
    %dma_start3A_311 = tpu.memref_squeeze %dma_start3A_310 : memref<1x128x128xf32, #tpu.memory_space<hbm>> -> memref<128x128xf32, #tpu.memory_space<hbm>>
    %dma_start3A_312 = arith.constant 0 : i32
    %dma_start3A_313 = arith.constant 0 : i32
    %dma_start3A_314 = tpu.memref_slice %arg6[%dma_start3A_297, %dma_start3A_312, %dma_start3A_313] : memref<5x128x128xf32, #tpu.memory_space<vmem>> -> memref<1x128x128xf32, #tpu.memory_space<vmem>>
    %dma_start3A_315 = tpu.memref_squeeze %dma_start3A_314 : memref<1x128x128xf32, #tpu.memory_space<vmem>> -> memref<128x128xf32, #tpu.memory_space<vmem>>
    tpu.enqueue_dma source(%dma_start3A_315 : memref<128x128xf32, #tpu.memory_space<vmem>>) target(%dma_start3A_311 : memref<128x128xf32, #tpu.memory_space<hbm>>) target_semaphore(%dma_start3A_308 : memref<!tpu.dma_semaphore, #tpu.memory_space<semaphore_mem>>)
    %dma_wait3A_316 = arith.constant 2 : i32
    %dma_wait3A_317 = arith.constant 2 : i32
    %dma_wait3A_318 = arith.constant 2 : i32
    %dma_wait3A_319 = arith.constant 0 : i32
    %dma_wait3A_320 = arith.constant 0 : i32
    %dma_wait3A_321 = tpu.memref_slice %arg6[%dma_wait3A_316, %dma_wait3A_319, %dma_wait3A_320] : memref<5x128x128xf32, #tpu.memory_space<vmem>> -> memref<1x128x128xf32, #tpu.memory_space<vmem>>
    %dma_wait3A_322 = tpu.memref_squeeze %dma_wait3A_321 : memref<1x128x128xf32, #tpu.memory_space<vmem>> -> memref<128x128xf32, #tpu.memory_space<vmem>>
    %dma_wait3A_323 = arith.constant 0 : i32
    %dma_wait3A_324 = tpu.memref_slice %arg4[%dma_wait3A_317, %mul3A_2, %dma_wait3A_323] : memref<50x4096x128xf32, #tpu.memory_space<hbm>> -> memref<1x128x128xf32, #tpu.memory_space<hbm>>
    %dma_wait3A_325 = tpu.memref_squeeze %dma_wait3A_324 : memref<1x128x128xf32, #tpu.memory_space<hbm>> -> memref<128x128xf32, #tpu.memory_space<hbm>>
    %dma_wait3A_326 = tpu.memref_slice %arg9[%dma_wait3A_318] : memref<5x!tpu.dma_semaphore, #tpu.memory_space<semaphore_mem>> -> memref<1x!tpu.dma_semaphore, #tpu.memory_space<semaphore_mem>>
    %dma_wait3A_327 = tpu.memref_squeeze %dma_wait3A_326 : memref<1x!tpu.dma_semaphore, #tpu.memory_space<semaphore_mem>> -> memref<!tpu.dma_semaphore, #tpu.memory_space<semaphore_mem>>
    %dma_wait3A_328 = arith.constant 0 : i32
    %dma_wait3A_329 = tpu.memref_slice %arg4[%dma_wait3A_317, %mul3A_2, %dma_wait3A_328] : memref<50x4096x128xf32, #tpu.memory_space<hbm>> -> memref<1x128x128xf32, #tpu.memory_space<hbm>>
    %dma_wait3A_330 = tpu.memref_squeeze %dma_wait3A_329 : memref<1x128x128xf32, #tpu.memory_space<hbm>> -> memref<128x128xf32, #tpu.memory_space<hbm>>
    %dma_wait3A_331 = arith.constant 0 : i32
    %dma_wait3A_332 = arith.constant 0 : i32
    %dma_wait3A_333 = tpu.memref_slice %arg6[%dma_wait3A_316, %dma_wait3A_331, %dma_wait3A_332] : memref<5x128x128xf32, #tpu.memory_space<vmem>> -> memref<1x128x128xf32, #tpu.memory_space<vmem>>
    %dma_wait3A_334 = tpu.memref_squeeze %dma_wait3A_333 : memref<1x128x128xf32, #tpu.memory_space<vmem>> -> memref<128x128xf32, #tpu.memory_space<vmem>>
    tpu.wait_dma2 semaphore(%dma_wait3A_327 : memref<!tpu.dma_semaphore, #tpu.memory_space<semaphore_mem>>) src(%dma_wait3A_334 : memref<128x128xf32, #tpu.memory_space<vmem>>) dst(%dma_wait3A_330 : memref<128x128xf32, #tpu.memory_space<hbm>>)
    %dma_start3A_335 = arith.constant 7 : i32
    %dma_start3A_336 = arith.constant 2 : i32
    %dma_start3A_337 = arith.constant 2 : i32
    %dma_start3A_338 = arith.constant 0 : i32
    %dma_start3A_339 = arith.constant 0 : i32
    %dma_start3A_340 = tpu.memref_slice %arg6[%dma_start3A_336, %dma_start3A_338, %dma_start3A_339] : memref<5x128x128xf32, #tpu.memory_space<vmem>> -> memref<1x128x128xf32, #tpu.memory_space<vmem>>
    %dma_start3A_341 = tpu.memref_squeeze %dma_start3A_340 : memref<1x128x128xf32, #tpu.memory_space<vmem>> -> memref<128x128xf32, #tpu.memory_space<vmem>>
    %dma_start3A_342 = arith.constant 0 : i32
    %dma_start3A_343 = tpu.memref_slice %arg5[%dma_start3A_335, %dma_start3A_342] : memref<50x128xi32, #tpu.memory_space<vmem>> -> memref<1x128xi32, #tpu.memory_space<vmem>>
    %dma_start3A_344 = tpu.memref_squeeze %dma_start3A_343 : memref<1x128xi32, #tpu.memory_space<vmem>> -> memref<128xi32, #tpu.memory_space<vmem>>
    %dma_start3A_345 = arith.constant 0 : i32
    %dma_start3A_346 = arith.constant 0 : i32
    %dma_start3A_347 = tpu.memref_slice %arg7[%dma_start3A_345, %dma_start3A_346] : memref<1000x128xf32, #tpu.memory_space<vmem_shared>> -> memref<1000x128xf32, #tpu.memory_space<vmem_shared>>
    %dma_start3A_348 = tpu.memref_slice %arg8[%dma_start3A_337] : memref<5x!tpu.dma_semaphore, #tpu.memory_space<semaphore_mem>> -> memref<1x!tpu.dma_semaphore, #tpu.memory_space<semaphore_mem>>
    %dma_start3A_349 = tpu.memref_squeeze %dma_start3A_348 : memref<1x!tpu.dma_semaphore, #tpu.memory_space<semaphore_mem>> -> memref<!tpu.dma_semaphore, #tpu.memory_space<semaphore_mem>>
    tpu.enqueue_indirect_dma source(%dma_start3A_347 : memref<1000x128xf32, #tpu.memory_space<vmem_shared>>) target(%dma_start3A_341 : memref<128x128xf32, #tpu.memory_space<vmem>>) offsets(%dma_start3A_344 : memref<128xi32, #tpu.memory_space<vmem>>) semaphore(%dma_start3A_349 : memref<!tpu.dma_semaphore, #tpu.memory_space<semaphore_mem>>)
    %scan3A = arith.constant 0 : i32
    %scan3A_350 = arith.constant 8 : i32
    %scan3A_351 = arith.addi %scan3A, %scan3A_350 : i32
    %scan3A_352 = arith.constant 1 : i32
    scf.for %scan3A_687 = %scan3A to %scan3A_351 step %scan3A_352  : i32 {
      %mul3A_688 = arith.constant 1 : i32
      %mul3A_689 = arith.muli %scan3A_687, %mul3A_688 : i32
      %add3A_690 = arith.constant 1 : i32
      %add3A_691 = arith.addi %add3A_690, %mul3A_689 : i32
      %mul3A_692 = arith.constant 5 : i32
      %mul3A_693 = arith.muli %add3A_691, %mul3A_692 : i32
      %add3A_694 = arith.constant 0 : i32
      %add3A_695 = arith.addi %mul3A_693, %add3A_694 : i32
      %dma_wait3A_696 = arith.constant 0 : i32
      %dma_wait3A_697 = arith.constant 0 : i32
      %dma_wait3A_698 = arith.constant 0 : i32
      %dma_wait3A_699 = arith.constant 0 : i32
      %dma_wait3A_700 = tpu.memref_slice %arg6[%dma_wait3A_696, %dma_wait3A_698, %dma_wait3A_699] : memref<5x128x128xf32, #tpu.memory_space<vmem>> -> memref<1x128x128xf32, #tpu.memory_space<vmem>>
      %dma_wait3A_701 = tpu.memref_squeeze %dma_wait3A_700 : memref<1x128x128xf32, #tpu.memory_space<vmem>> -> memref<128x128xf32, #tpu.memory_space<vmem>>
      %dma_wait3A_702 = arith.constant 0 : i32
      %dma_wait3A_703 = tpu.memref_slice %arg5[%add3A_695, %dma_wait3A_702] : memref<50x128xi32, #tpu.memory_space<vmem>> -> memref<1x128xi32, #tpu.memory_space<vmem>>
      %dma_wait3A_704 = tpu.memref_squeeze %dma_wait3A_703 : memref<1x128xi32, #tpu.memory_space<vmem>> -> memref<128xi32, #tpu.memory_space<vmem>>
      %dma_wait3A_705 = arith.constant 0 : i32
      %dma_wait3A_706 = arith.constant 0 : i32
      %dma_wait3A_707 = tpu.memref_slice %arg7[%dma_wait3A_705, %dma_wait3A_706] : memref<1000x128xf32, #tpu.memory_space<vmem_shared>> -> memref<1000x128xf32, #tpu.memory_space<vmem_shared>>
      %dma_wait3A_708 = tpu.memref_slice %arg8[%dma_wait3A_697] : memref<5x!tpu.dma_semaphore, #tpu.memory_space<semaphore_mem>> -> memref<1x!tpu.dma_semaphore, #tpu.memory_space<semaphore_mem>>
      %dma_wait3A_709 = tpu.memref_squeeze %dma_wait3A_708 : memref<1x!tpu.dma_semaphore, #tpu.memory_space<semaphore_mem>> -> memref<!tpu.dma_semaphore, #tpu.memory_space<semaphore_mem>>
      tpu.wait_indirect_dma semaphore(%dma_wait3A_709 : memref<!tpu.dma_semaphore, #tpu.memory_space<semaphore_mem>>) src(%dma_wait3A_707 : memref<1000x128xf32, #tpu.memory_space<vmem_shared>>) dst(%dma_wait3A_701 : memref<128x128xf32, #tpu.memory_space<vmem>>)
      %add3A_710 = arith.constant 0 : i32
      %add3A_711 = arith.addi %mul3A_693, %add3A_710 : i32
      %dma_start3A_712 = arith.constant 0 : i32
      %dma_start3A_713 = arith.constant 0 : i32
      %dma_start3A_714 = arith.constant 0 : i32
      %dma_start3A_715 = arith.constant 0 : i32
      %dma_start3A_716 = tpu.memref_slice %arg6[%dma_start3A_712, %dma_start3A_714, %dma_start3A_715] : memref<5x128x128xf32, #tpu.memory_space<vmem>> -> memref<1x128x128xf32, #tpu.memory_space<vmem>>
      %dma_start3A_717 = tpu.memref_squeeze %dma_start3A_716 : memref<1x128x128xf32, #tpu.memory_space<vmem>> -> memref<128x128xf32, #tpu.memory_space<vmem>>
      %dma_start3A_718 = arith.constant 0 : i32
      %dma_start3A_719 = tpu.memref_slice %arg4[%add3A_711, %mul3A_2, %dma_start3A_718] : memref<50x4096x128xf32, #tpu.memory_space<hbm>> -> memref<1x128x128xf32, #tpu.memory_space<hbm>>
      %dma_start3A_720 = tpu.memref_squeeze %dma_start3A_719 : memref<1x128x128xf32, #tpu.memory_space<hbm>> -> memref<128x128xf32, #tpu.memory_space<hbm>>
      %dma_start3A_721 = tpu.memref_slice %arg9[%dma_start3A_713] : memref<5x!tpu.dma_semaphore, #tpu.memory_space<semaphore_mem>> -> memref<1x!tpu.dma_semaphore, #tpu.memory_space<semaphore_mem>>
      %dma_start3A_722 = tpu.memref_squeeze %dma_start3A_721 : memref<1x!tpu.dma_semaphore, #tpu.memory_space<semaphore_mem>> -> memref<!tpu.dma_semaphore, #tpu.memory_space<semaphore_mem>>
      %dma_start3A_723 = arith.constant 0 : i32
      %dma_start3A_724 = tpu.memref_slice %arg4[%add3A_711, %mul3A_2, %dma_start3A_723] : memref<50x4096x128xf32, #tpu.memory_space<hbm>> -> memref<1x128x128xf32, #tpu.memory_space<hbm>>
      %dma_start3A_725 = tpu.memref_squeeze %dma_start3A_724 : memref<1x128x128xf32, #tpu.memory_space<hbm>> -> memref<128x128xf32, #tpu.memory_space<hbm>>
      %dma_start3A_726 = arith.constant 0 : i32
      %dma_start3A_727 = arith.constant 0 : i32
      %dma_start3A_728 = tpu.memref_slice %arg6[%dma_start3A_712, %dma_start3A_726, %dma_start3A_727] : memref<5x128x128xf32, #tpu.memory_space<vmem>> -> memref<1x128x128xf32, #tpu.memory_space<vmem>>
      %dma_start3A_729 = tpu.memref_squeeze %dma_start3A_728 : memref<1x128x128xf32, #tpu.memory_space<vmem>> -> memref<128x128xf32, #tpu.memory_space<vmem>>
      tpu.enqueue_dma source(%dma_start3A_729 : memref<128x128xf32, #tpu.memory_space<vmem>>) target(%dma_start3A_725 : memref<128x128xf32, #tpu.memory_space<hbm>>) target_semaphore(%dma_start3A_722 : memref<!tpu.dma_semaphore, #tpu.memory_space<semaphore_mem>>)
      %add3A_730 = arith.constant 0 : i32
      %add3A_731 = arith.addi %mul3A_693, %add3A_730 : i32
      %sub3A = arith.constant 2 : i32
      %sub3A_732 = arith.subi %add3A_731, %sub3A : i32
      %dma_wait3A_733 = arith.constant 3 : i32
      %dma_wait3A_734 = arith.constant 3 : i32
      %dma_wait3A_735 = arith.constant 0 : i32
      %dma_wait3A_736 = arith.constant 0 : i32
      %dma_wait3A_737 = tpu.memref_slice %arg6[%dma_wait3A_733, %dma_wait3A_735, %dma_wait3A_736] : memref<5x128x128xf32, #tpu.memory_space<vmem>> -> memref<1x128x128xf32, #tpu.memory_space<vmem>>
      %dma_wait3A_738 = tpu.memref_squeeze %dma_wait3A_737 : memref<1x128x128xf32, #tpu.memory_space<vmem>> -> memref<128x128xf32, #tpu.memory_space<vmem>>
      %dma_wait3A_739 = arith.constant 0 : i32
      %dma_wait3A_740 = tpu.memref_slice %arg4[%sub3A_732, %mul3A_2, %dma_wait3A_739] : memref<50x4096x128xf32, #tpu.memory_space<hbm>> -> memref<1x128x128xf32, #tpu.memory_space<hbm>>
      %dma_wait3A_741 = tpu.memref_squeeze %dma_wait3A_740 : memref<1x128x128xf32, #tpu.memory_space<hbm>> -> memref<128x128xf32, #tpu.memory_space<hbm>>
      %dma_wait3A_742 = tpu.memref_slice %arg9[%dma_wait3A_734] : memref<5x!tpu.dma_semaphore, #tpu.memory_space<semaphore_mem>> -> memref<1x!tpu.dma_semaphore, #tpu.memory_space<semaphore_mem>>
      %dma_wait3A_743 = tpu.memref_squeeze %dma_wait3A_742 : memref<1x!tpu.dma_semaphore, #tpu.memory_space<semaphore_mem>> -> memref<!tpu.dma_semaphore, #tpu.memory_space<semaphore_mem>>
      %dma_wait3A_744 = arith.constant 0 : i32
      %dma_wait3A_745 = tpu.memref_slice %arg4[%sub3A_732, %mul3A_2, %dma_wait3A_744] : memref<50x4096x128xf32, #tpu.memory_space<hbm>> -> memref<1x128x128xf32, #tpu.memory_space<hbm>>
      %dma_wait3A_746 = tpu.memref_squeeze %dma_wait3A_745 : memref<1x128x128xf32, #tpu.memory_space<hbm>> -> memref<128x128xf32, #tpu.memory_space<hbm>>
      %dma_wait3A_747 = arith.constant 0 : i32
      %dma_wait3A_748 = arith.constant 0 : i32
      %dma_wait3A_749 = tpu.memref_slice %arg6[%dma_wait3A_733, %dma_wait3A_747, %dma_wait3A_748] : memref<5x128x128xf32, #tpu.memory_space<vmem>> -> memref<1x128x128xf32, #tpu.memory_space<vmem>>
      %dma_wait3A_750 = tpu.memref_squeeze %dma_wait3A_749 : memref<1x128x128xf32, #tpu.memory_space<vmem>> -> memref<128x128xf32, #tpu.memory_space<vmem>>
      tpu.wait_dma2 semaphore(%dma_wait3A_743 : memref<!tpu.dma_semaphore, #tpu.memory_space<semaphore_mem>>) src(%dma_wait3A_750 : memref<128x128xf32, #tpu.memory_space<vmem>>) dst(%dma_wait3A_746 : memref<128x128xf32, #tpu.memory_space<hbm>>)
      %add3A_751 = arith.constant 0 : i32
      %add3A_752 = arith.addi %mul3A_693, %add3A_751 : i32
      %add3A_753 = arith.constant 3 : i32
      %add3A_754 = arith.addi %add3A_752, %add3A_753 : i32
      %dma_start3A_755 = arith.constant 3 : i32
      %dma_start3A_756 = arith.constant 3 : i32
      %dma_start3A_757 = arith.constant 0 : i32
      %dma_start3A_758 = arith.constant 0 : i32
      %dma_start3A_759 = tpu.memref_slice %arg6[%dma_start3A_755, %dma_start3A_757, %dma_start3A_758] : memref<5x128x128xf32, #tpu.memory_space<vmem>> -> memref<1x128x128xf32, #tpu.memory_space<vmem>>
      %dma_start3A_760 = tpu.memref_squeeze %dma_start3A_759 : memref<1x128x128xf32, #tpu.memory_space<vmem>> -> memref<128x128xf32, #tpu.memory_space<vmem>>
      %dma_start3A_761 = arith.constant 0 : i32
      %dma_start3A_762 = tpu.memref_slice %arg5[%add3A_754, %dma_start3A_761] : memref<50x128xi32, #tpu.memory_space<vmem>> -> memref<1x128xi32, #tpu.memory_space<vmem>>
      %dma_start3A_763 = tpu.memref_squeeze %dma_start3A_762 : memref<1x128xi32, #tpu.memory_space<vmem>> -> memref<128xi32, #tpu.memory_space<vmem>>
      %dma_start3A_764 = arith.constant 0 : i32
      %dma_start3A_765 = arith.constant 0 : i32
      %dma_start3A_766 = tpu.memref_slice %arg7[%dma_start3A_764, %dma_start3A_765] : memref<1000x128xf32, #tpu.memory_space<vmem_shared>> -> memref<1000x128xf32, #tpu.memory_space<vmem_shared>>
      %dma_start3A_767 = tpu.memref_slice %arg8[%dma_start3A_756] : memref<5x!tpu.dma_semaphore, #tpu.memory_space<semaphore_mem>> -> memref<1x!tpu.dma_semaphore, #tpu.memory_space<semaphore_mem>>
      %dma_start3A_768 = tpu.memref_squeeze %dma_start3A_767 : memref<1x!tpu.dma_semaphore, #tpu.memory_space<semaphore_mem>> -> memref<!tpu.dma_semaphore, #tpu.memory_space<semaphore_mem>>
      tpu.enqueue_indirect_dma source(%dma_start3A_766 : memref<1000x128xf32, #tpu.memory_space<vmem_shared>>) target(%dma_start3A_760 : memref<128x128xf32, #tpu.memory_space<vmem>>) offsets(%dma_start3A_763 : memref<128xi32, #tpu.memory_space<vmem>>) semaphore(%dma_start3A_768 : memref<!tpu.dma_semaphore, #tpu.memory_space<semaphore_mem>>)
      %add3A_769 = arith.constant 1 : i32
      %add3A_770 = arith.addi %mul3A_693, %add3A_769 : i32
      %dma_wait3A_771 = arith.constant 1 : i32
      %dma_wait3A_772 = arith.constant 1 : i32
      %dma_wait3A_773 = arith.constant 0 : i32
      %dma_wait3A_774 = arith.constant 0 : i32
      %dma_wait3A_775 = tpu.memref_slice %arg6[%dma_wait3A_771, %dma_wait3A_773, %dma_wait3A_774] : memref<5x128x128xf32, #tpu.memory_space<vmem>> -> memref<1x128x128xf32, #tpu.memory_space<vmem>>
      %dma_wait3A_776 = tpu.memref_squeeze %dma_wait3A_775 : memref<1x128x128xf32, #tpu.memory_space<vmem>> -> memref<128x128xf32, #tpu.memory_space<vmem>>
      %dma_wait3A_777 = arith.constant 0 : i32
      %dma_wait3A_778 = tpu.memref_slice %arg5[%add3A_770, %dma_wait3A_777] : memref<50x128xi32, #tpu.memory_space<vmem>> -> memref<1x128xi32, #tpu.memory_space<vmem>>
      %dma_wait3A_779 = tpu.memref_squeeze %dma_wait3A_778 : memref<1x128xi32, #tpu.memory_space<vmem>> -> memref<128xi32, #tpu.memory_space<vmem>>
      %dma_wait3A_780 = arith.constant 0 : i32
      %dma_wait3A_781 = arith.constant 0 : i32
      %dma_wait3A_782 = tpu.memref_slice %arg7[%dma_wait3A_780, %dma_wait3A_781] : memref<1000x128xf32, #tpu.memory_space<vmem_shared>> -> memref<1000x128xf32, #tpu.memory_space<vmem_shared>>
      %dma_wait3A_783 = tpu.memref_slice %arg8[%dma_wait3A_772] : memref<5x!tpu.dma_semaphore, #tpu.memory_space<semaphore_mem>> -> memref<1x!tpu.dma_semaphore, #tpu.memory_space<semaphore_mem>>
      %dma_wait3A_784 = tpu.memref_squeeze %dma_wait3A_783 : memref<1x!tpu.dma_semaphore, #tpu.memory_space<semaphore_mem>> -> memref<!tpu.dma_semaphore, #tpu.memory_space<semaphore_mem>>
      tpu.wait_indirect_dma semaphore(%dma_wait3A_784 : memref<!tpu.dma_semaphore, #tpu.memory_space<semaphore_mem>>) src(%dma_wait3A_782 : memref<1000x128xf32, #tpu.memory_space<vmem_shared>>) dst(%dma_wait3A_776 : memref<128x128xf32, #tpu.memory_space<vmem>>)
      %add3A_785 = arith.constant 1 : i32
      %add3A_786 = arith.addi %mul3A_693, %add3A_785 : i32
      %dma_start3A_787 = arith.constant 1 : i32
      %dma_start3A_788 = arith.constant 1 : i32
      %dma_start3A_789 = arith.constant 0 : i32
      %dma_start3A_790 = arith.constant 0 : i32
      %dma_start3A_791 = tpu.memref_slice %arg6[%dma_start3A_787, %dma_start3A_789, %dma_start3A_790] : memref<5x128x128xf32, #tpu.memory_space<vmem>> -> memref<1x128x128xf32, #tpu.memory_space<vmem>>
      %dma_start3A_792 = tpu.memref_squeeze %dma_start3A_791 : memref<1x128x128xf32, #tpu.memory_space<vmem>> -> memref<128x128xf32, #tpu.memory_space<vmem>>
      %dma_start3A_793 = arith.constant 0 : i32
      %dma_start3A_794 = tpu.memref_slice %arg4[%add3A_786, %mul3A_2, %dma_start3A_793] : memref<50x4096x128xf32, #tpu.memory_space<hbm>> -> memref<1x128x128xf32, #tpu.memory_space<hbm>>
      %dma_start3A_795 = tpu.memref_squeeze %dma_start3A_794 : memref<1x128x128xf32, #tpu.memory_space<hbm>> -> memref<128x128xf32, #tpu.memory_space<hbm>>
      %dma_start3A_796 = tpu.memref_slice %arg9[%dma_start3A_788] : memref<5x!tpu.dma_semaphore, #tpu.memory_space<semaphore_mem>> -> memref<1x!tpu.dma_semaphore, #tpu.memory_space<semaphore_mem>>
      %dma_start3A_797 = tpu.memref_squeeze %dma_start3A_796 : memref<1x!tpu.dma_semaphore, #tpu.memory_space<semaphore_mem>> -> memref<!tpu.dma_semaphore, #tpu.memory_space<semaphore_mem>>
      %dma_start3A_798 = arith.constant 0 : i32
      %dma_start3A_799 = tpu.memref_slice %arg4[%add3A_786, %mul3A_2, %dma_start3A_798] : memref<50x4096x128xf32, #tpu.memory_space<hbm>> -> memref<1x128x128xf32, #tpu.memory_space<hbm>>
      %dma_start3A_800 = tpu.memref_squeeze %dma_start3A_799 : memref<1x128x128xf32, #tpu.memory_space<hbm>> -> memref<128x128xf32, #tpu.memory_space<hbm>>
      %dma_start3A_801 = arith.constant 0 : i32
      %dma_start3A_802 = arith.constant 0 : i32
      %dma_start3A_803 = tpu.memref_slice %arg6[%dma_start3A_787, %dma_start3A_801, %dma_start3A_802] : memref<5x128x128xf32, #tpu.memory_space<vmem>> -> memref<1x128x128xf32, #tpu.memory_space<vmem>>
      %dma_start3A_804 = tpu.memref_squeeze %dma_start3A_803 : memref<1x128x128xf32, #tpu.memory_space<vmem>> -> memref<128x128xf32, #tpu.memory_space<vmem>>
      tpu.enqueue_dma source(%dma_start3A_804 : memref<128x128xf32, #tpu.memory_space<vmem>>) target(%dma_start3A_800 : memref<128x128xf32, #tpu.memory_space<hbm>>) target_semaphore(%dma_start3A_797 : memref<!tpu.dma_semaphore, #tpu.memory_space<semaphore_mem>>)
      %add3A_805 = arith.constant 1 : i32
      %add3A_806 = arith.addi %mul3A_693, %add3A_805 : i32
      %sub3A_807 = arith.constant 2 : i32
      %sub3A_808 = arith.subi %add3A_806, %sub3A_807 : i32
      %dma_wait3A_809 = arith.constant 4 : i32
      %dma_wait3A_810 = arith.constant 4 : i32
      %dma_wait3A_811 = arith.constant 0 : i32
      %dma_wait3A_812 = arith.constant 0 : i32
      %dma_wait3A_813 = tpu.memref_slice %arg6[%dma_wait3A_809, %dma_wait3A_811, %dma_wait3A_812] : memref<5x128x128xf32, #tpu.memory_space<vmem>> -> memref<1x128x128xf32, #tpu.memory_space<vmem>>
      %dma_wait3A_814 = tpu.memref_squeeze %dma_wait3A_813 : memref<1x128x128xf32, #tpu.memory_space<vmem>> -> memref<128x128xf32, #tpu.memory_space<vmem>>
      %dma_wait3A_815 = arith.constant 0 : i32
      %dma_wait3A_816 = tpu.memref_slice %arg4[%sub3A_808, %mul3A_2, %dma_wait3A_815] : memref<50x4096x128xf32, #tpu.memory_space<hbm>> -> memref<1x128x128xf32, #tpu.memory_space<hbm>>
      %dma_wait3A_817 = tpu.memref_squeeze %dma_wait3A_816 : memref<1x128x128xf32, #tpu.memory_space<hbm>> -> memref<128x128xf32, #tpu.memory_space<hbm>>
      %dma_wait3A_818 = tpu.memref_slice %arg9[%dma_wait3A_810] : memref<5x!tpu.dma_semaphore, #tpu.memory_space<semaphore_mem>> -> memref<1x!tpu.dma_semaphore, #tpu.memory_space<semaphore_mem>>
      %dma_wait3A_819 = tpu.memref_squeeze %dma_wait3A_818 : memref<1x!tpu.dma_semaphore, #tpu.memory_space<semaphore_mem>> -> memref<!tpu.dma_semaphore, #tpu.memory_space<semaphore_mem>>
      %dma_wait3A_820 = arith.constant 0 : i32
      %dma_wait3A_821 = tpu.memref_slice %arg4[%sub3A_808, %mul3A_2, %dma_wait3A_820] : memref<50x4096x128xf32, #tpu.memory_space<hbm>> -> memref<1x128x128xf32, #tpu.memory_space<hbm>>
      %dma_wait3A_822 = tpu.memref_squeeze %dma_wait3A_821 : memref<1x128x128xf32, #tpu.memory_space<hbm>> -> memref<128x128xf32, #tpu.memory_space<hbm>>
      %dma_wait3A_823 = arith.constant 0 : i32
      %dma_wait3A_824 = arith.constant 0 : i32
      %dma_wait3A_825 = tpu.memref_slice %arg6[%dma_wait3A_809, %dma_wait3A_823, %dma_wait3A_824] : memref<5x128x128xf32, #tpu.memory_space<vmem>> -> memref<1x128x128xf32, #tpu.memory_space<vmem>>
      %dma_wait3A_826 = tpu.memref_squeeze %dma_wait3A_825 : memref<1x128x128xf32, #tpu.memory_space<vmem>> -> memref<128x128xf32, #tpu.memory_space<vmem>>
      tpu.wait_dma2 semaphore(%dma_wait3A_819 : memref<!tpu.dma_semaphore, #tpu.memory_space<semaphore_mem>>) src(%dma_wait3A_826 : memref<128x128xf32, #tpu.memory_space<vmem>>) dst(%dma_wait3A_822 : memref<128x128xf32, #tpu.memory_space<hbm>>)
      %add3A_827 = arith.constant 1 : i32
      %add3A_828 = arith.addi %mul3A_693, %add3A_827 : i32
      %add3A_829 = arith.constant 3 : i32
      %add3A_830 = arith.addi %add3A_828, %add3A_829 : i32
      %dma_start3A_831 = arith.constant 4 : i32
      %dma_start3A_832 = arith.constant 4 : i32
      %dma_start3A_833 = arith.constant 0 : i32
      %dma_start3A_834 = arith.constant 0 : i32
      %dma_start3A_835 = tpu.memref_slice %arg6[%dma_start3A_831, %dma_start3A_833, %dma_start3A_834] : memref<5x128x128xf32, #tpu.memory_space<vmem>> -> memref<1x128x128xf32, #tpu.memory_space<vmem>>
      %dma_start3A_836 = tpu.memref_squeeze %dma_start3A_835 : memref<1x128x128xf32, #tpu.memory_space<vmem>> -> memref<128x128xf32, #tpu.memory_space<vmem>>
      %dma_start3A_837 = arith.constant 0 : i32
      %dma_start3A_838 = tpu.memref_slice %arg5[%add3A_830, %dma_start3A_837] : memref<50x128xi32, #tpu.memory_space<vmem>> -> memref<1x128xi32, #tpu.memory_space<vmem>>
      %dma_start3A_839 = tpu.memref_squeeze %dma_start3A_838 : memref<1x128xi32, #tpu.memory_space<vmem>> -> memref<128xi32, #tpu.memory_space<vmem>>
      %dma_start3A_840 = arith.constant 0 : i32
      %dma_start3A_841 = arith.constant 0 : i32
      %dma_start3A_842 = tpu.memref_slice %arg7[%dma_start3A_840, %dma_start3A_841] : memref<1000x128xf32, #tpu.memory_space<vmem_shared>> -> memref<1000x128xf32, #tpu.memory_space<vmem_shared>>
      %dma_start3A_843 = tpu.memref_slice %arg8[%dma_start3A_832] : memref<5x!tpu.dma_semaphore, #tpu.memory_space<semaphore_mem>> -> memref<1x!tpu.dma_semaphore, #tpu.memory_space<semaphore_mem>>
      %dma_start3A_844 = tpu.memref_squeeze %dma_start3A_843 : memref<1x!tpu.dma_semaphore, #tpu.memory_space<semaphore_mem>> -> memref<!tpu.dma_semaphore, #tpu.memory_space<semaphore_mem>>
      tpu.enqueue_indirect_dma source(%dma_start3A_842 : memref<1000x128xf32, #tpu.memory_space<vmem_shared>>) target(%dma_start3A_836 : memref<128x128xf32, #tpu.memory_space<vmem>>) offsets(%dma_start3A_839 : memref<128xi32, #tpu.memory_space<vmem>>) semaphore(%dma_start3A_844 : memref<!tpu.dma_semaphore, #tpu.memory_space<semaphore_mem>>)
      %add3A_845 = arith.constant 2 : i32
      %add3A_846 = arith.addi %mul3A_693, %add3A_845 : i32
      %dma_wait3A_847 = arith.constant 2 : i32
      %dma_wait3A_848 = arith.constant 2 : i32
      %dma_wait3A_849 = arith.constant 0 : i32
      %dma_wait3A_850 = arith.constant 0 : i32
      %dma_wait3A_851 = tpu.memref_slice %arg6[%dma_wait3A_847, %dma_wait3A_849, %dma_wait3A_850] : memref<5x128x128xf32, #tpu.memory_space<vmem>> -> memref<1x128x128xf32, #tpu.memory_space<vmem>>
      %dma_wait3A_852 = tpu.memref_squeeze %dma_wait3A_851 : memref<1x128x128xf32, #tpu.memory_space<vmem>> -> memref<128x128xf32, #tpu.memory_space<vmem>>
      %dma_wait3A_853 = arith.constant 0 : i32
      %dma_wait3A_854 = tpu.memref_slice %arg5[%add3A_846, %dma_wait3A_853] : memref<50x128xi32, #tpu.memory_space<vmem>> -> memref<1x128xi32, #tpu.memory_space<vmem>>
      %dma_wait3A_855 = tpu.memref_squeeze %dma_wait3A_854 : memref<1x128xi32, #tpu.memory_space<vmem>> -> memref<128xi32, #tpu.memory_space<vmem>>
      %dma_wait3A_856 = arith.constant 0 : i32
      %dma_wait3A_857 = arith.constant 0 : i32
      %dma_wait3A_858 = tpu.memref_slice %arg7[%dma_wait3A_856, %dma_wait3A_857] : memref<1000x128xf32, #tpu.memory_space<vmem_shared>> -> memref<1000x128xf32, #tpu.memory_space<vmem_shared>>
      %dma_wait3A_859 = tpu.memref_slice %arg8[%dma_wait3A_848] : memref<5x!tpu.dma_semaphore, #tpu.memory_space<semaphore_mem>> -> memref<1x!tpu.dma_semaphore, #tpu.memory_space<semaphore_mem>>
      %dma_wait3A_860 = tpu.memref_squeeze %dma_wait3A_859 : memref<1x!tpu.dma_semaphore, #tpu.memory_space<semaphore_mem>> -> memref<!tpu.dma_semaphore, #tpu.memory_space<semaphore_mem>>
      tpu.wait_indirect_dma semaphore(%dma_wait3A_860 : memref<!tpu.dma_semaphore, #tpu.memory_space<semaphore_mem>>) src(%dma_wait3A_858 : memref<1000x128xf32, #tpu.memory_space<vmem_shared>>) dst(%dma_wait3A_852 : memref<128x128xf32, #tpu.memory_space<vmem>>)
      %add3A_861 = arith.constant 2 : i32
      %add3A_862 = arith.addi %mul3A_693, %add3A_861 : i32
      %dma_start3A_863 = arith.constant 2 : i32
      %dma_start3A_864 = arith.constant 2 : i32
      %dma_start3A_865 = arith.constant 0 : i32
      %dma_start3A_866 = arith.constant 0 : i32
      %dma_start3A_867 = tpu.memref_slice %arg6[%dma_start3A_863, %dma_start3A_865, %dma_start3A_866] : memref<5x128x128xf32, #tpu.memory_space<vmem>> -> memref<1x128x128xf32, #tpu.memory_space<vmem>>
      %dma_start3A_868 = tpu.memref_squeeze %dma_start3A_867 : memref<1x128x128xf32, #tpu.memory_space<vmem>> -> memref<128x128xf32, #tpu.memory_space<vmem>>
      %dma_start3A_869 = arith.constant 0 : i32
      %dma_start3A_870 = tpu.memref_slice %arg4[%add3A_862, %mul3A_2, %dma_start3A_869] : memref<50x4096x128xf32, #tpu.memory_space<hbm>> -> memref<1x128x128xf32, #tpu.memory_space<hbm>>
      %dma_start3A_871 = tpu.memref_squeeze %dma_start3A_870 : memref<1x128x128xf32, #tpu.memory_space<hbm>> -> memref<128x128xf32, #tpu.memory_space<hbm>>
      %dma_start3A_872 = tpu.memref_slice %arg9[%dma_start3A_864] : memref<5x!tpu.dma_semaphore, #tpu.memory_space<semaphore_mem>> -> memref<1x!tpu.dma_semaphore, #tpu.memory_space<semaphore_mem>>
      %dma_start3A_873 = tpu.memref_squeeze %dma_start3A_872 : memref<1x!tpu.dma_semaphore, #tpu.memory_space<semaphore_mem>> -> memref<!tpu.dma_semaphore, #tpu.memory_space<semaphore_mem>>
      %dma_start3A_874 = arith.constant 0 : i32
      %dma_start3A_875 = tpu.memref_slice %arg4[%add3A_862, %mul3A_2, %dma_start3A_874] : memref<50x4096x128xf32, #tpu.memory_space<hbm>> -> memref<1x128x128xf32, #tpu.memory_space<hbm>>
      %dma_start3A_876 = tpu.memref_squeeze %dma_start3A_875 : memref<1x128x128xf32, #tpu.memory_space<hbm>> -> memref<128x128xf32, #tpu.memory_space<hbm>>
      %dma_start3A_877 = arith.constant 0 : i32
      %dma_start3A_878 = arith.constant 0 : i32
      %dma_start3A_879 = tpu.memref_slice %arg6[%dma_start3A_863, %dma_start3A_877, %dma_start3A_878] : memref<5x128x128xf32, #tpu.memory_space<vmem>> -> memref<1x128x128xf32, #tpu.memory_space<vmem>>
      %dma_start3A_880 = tpu.memref_squeeze %dma_start3A_879 : memref<1x128x128xf32, #tpu.memory_space<vmem>> -> memref<128x128xf32, #tpu.memory_space<vmem>>
      tpu.enqueue_dma source(%dma_start3A_880 : memref<128x128xf32, #tpu.memory_space<vmem>>) target(%dma_start3A_876 : memref<128x128xf32, #tpu.memory_space<hbm>>) target_semaphore(%dma_start3A_873 : memref<!tpu.dma_semaphore, #tpu.memory_space<semaphore_mem>>)
      %add3A_881 = arith.constant 2 : i32
      %add3A_882 = arith.addi %mul3A_693, %add3A_881 : i32
      %sub3A_883 = arith.constant 2 : i32
      %sub3A_884 = arith.subi %add3A_882, %sub3A_883 : i32
      %dma_wait3A_885 = arith.constant 0 : i32
      %dma_wait3A_886 = arith.constant 0 : i32
      %dma_wait3A_887 = arith.constant 0 : i32
      %dma_wait3A_888 = arith.constant 0 : i32
      %dma_wait3A_889 = tpu.memref_slice %arg6[%dma_wait3A_885, %dma_wait3A_887, %dma_wait3A_888] : memref<5x128x128xf32, #tpu.memory_space<vmem>> -> memref<1x128x128xf32, #tpu.memory_space<vmem>>
      %dma_wait3A_890 = tpu.memref_squeeze %dma_wait3A_889 : memref<1x128x128xf32, #tpu.memory_space<vmem>> -> memref<128x128xf32, #tpu.memory_space<vmem>>
      %dma_wait3A_891 = arith.constant 0 : i32
      %dma_wait3A_892 = tpu.memref_slice %arg4[%sub3A_884, %mul3A_2, %dma_wait3A_891] : memref<50x4096x128xf32, #tpu.memory_space<hbm>> -> memref<1x128x128xf32, #tpu.memory_space<hbm>>
      %dma_wait3A_893 = tpu.memref_squeeze %dma_wait3A_892 : memref<1x128x128xf32, #tpu.memory_space<hbm>> -> memref<128x128xf32, #tpu.memory_space<hbm>>
      %dma_wait3A_894 = tpu.memref_slice %arg9[%dma_wait3A_886] : memref<5x!tpu.dma_semaphore, #tpu.memory_space<semaphore_mem>> -> memref<1x!tpu.dma_semaphore, #tpu.memory_space<semaphore_mem>>
      %dma_wait3A_895 = tpu.memref_squeeze %dma_wait3A_894 : memref<1x!tpu.dma_semaphore, #tpu.memory_space<semaphore_mem>> -> memref<!tpu.dma_semaphore, #tpu.memory_space<semaphore_mem>>
      %dma_wait3A_896 = arith.constant 0 : i32
      %dma_wait3A_897 = tpu.memref_slice %arg4[%sub3A_884, %mul3A_2, %dma_wait3A_896] : memref<50x4096x128xf32, #tpu.memory_space<hbm>> -> memref<1x128x128xf32, #tpu.memory_space<hbm>>
      %dma_wait3A_898 = tpu.memref_squeeze %dma_wait3A_897 : memref<1x128x128xf32, #tpu.memory_space<hbm>> -> memref<128x128xf32, #tpu.memory_space<hbm>>
      %dma_wait3A_899 = arith.constant 0 : i32
      %dma_wait3A_900 = arith.constant 0 : i32
      %dma_wait3A_901 = tpu.memref_slice %arg6[%dma_wait3A_885, %dma_wait3A_899, %dma_wait3A_900] : memref<5x128x128xf32, #tpu.memory_space<vmem>> -> memref<1x128x128xf32, #tpu.memory_space<vmem>>
      %dma_wait3A_902 = tpu.memref_squeeze %dma_wait3A_901 : memref<1x128x128xf32, #tpu.memory_space<vmem>> -> memref<128x128xf32, #tpu.memory_space<vmem>>
      tpu.wait_dma2 semaphore(%dma_wait3A_895 : memref<!tpu.dma_semaphore, #tpu.memory_space<semaphore_mem>>) src(%dma_wait3A_902 : memref<128x128xf32, #tpu.memory_space<vmem>>) dst(%dma_wait3A_898 : memref<128x128xf32, #tpu.memory_space<hbm>>)
      %add3A_903 = arith.constant 2 : i32
      %add3A_904 = arith.addi %mul3A_693, %add3A_903 : i32
      %add3A_905 = arith.constant 3 : i32
      %add3A_906 = arith.addi %add3A_904, %add3A_905 : i32
      %dma_start3A_907 = arith.constant 0 : i32
      %dma_start3A_908 = arith.constant 0 : i32
      %dma_start3A_909 = arith.constant 0 : i32
      %dma_start3A_910 = arith.constant 0 : i32
      %dma_start3A_911 = tpu.memref_slice %arg6[%dma_start3A_907, %dma_start3A_909, %dma_start3A_910] : memref<5x128x128xf32, #tpu.memory_space<vmem>> -> memref<1x128x128xf32, #tpu.memory_space<vmem>>
      %dma_start3A_912 = tpu.memref_squeeze %dma_start3A_911 : memref<1x128x128xf32, #tpu.memory_space<vmem>> -> memref<128x128xf32, #tpu.memory_space<vmem>>
      %dma_start3A_913 = arith.constant 0 : i32
      %dma_start3A_914 = tpu.memref_slice %arg5[%add3A_906, %dma_start3A_913] : memref<50x128xi32, #tpu.memory_space<vmem>> -> memref<1x128xi32, #tpu.memory_space<vmem>>
      %dma_start3A_915 = tpu.memref_squeeze %dma_start3A_914 : memref<1x128xi32, #tpu.memory_space<vmem>> -> memref<128xi32, #tpu.memory_space<vmem>>
      %dma_start3A_916 = arith.constant 0 : i32
      %dma_start3A_917 = arith.constant 0 : i32
      %dma_start3A_918 = tpu.memref_slice %arg7[%dma_start3A_916, %dma_start3A_917] : memref<1000x128xf32, #tpu.memory_space<vmem_shared>> -> memref<1000x128xf32, #tpu.memory_space<vmem_shared>>
      %dma_start3A_919 = tpu.memref_slice %arg8[%dma_start3A_908] : memref<5x!tpu.dma_semaphore, #tpu.memory_space<semaphore_mem>> -> memref<1x!tpu.dma_semaphore, #tpu.memory_space<semaphore_mem>>
      %dma_start3A_920 = tpu.memref_squeeze %dma_start3A_919 : memref<1x!tpu.dma_semaphore, #tpu.memory_space<semaphore_mem>> -> memref<!tpu.dma_semaphore, #tpu.memory_space<semaphore_mem>>
      tpu.enqueue_indirect_dma source(%dma_start3A_918 : memref<1000x128xf32, #tpu.memory_space<vmem_shared>>) target(%dma_start3A_912 : memref<128x128xf32, #tpu.memory_space<vmem>>) offsets(%dma_start3A_915 : memref<128xi32, #tpu.memory_space<vmem>>) semaphore(%dma_start3A_920 : memref<!tpu.dma_semaphore, #tpu.memory_space<semaphore_mem>>)
      %add3A_921 = arith.constant 3 : i32
      %add3A_922 = arith.addi %mul3A_693, %add3A_921 : i32
      %dma_wait3A_923 = arith.constant 3 : i32
      %dma_wait3A_924 = arith.constant 3 : i32
      %dma_wait3A_925 = arith.constant 0 : i32
      %dma_wait3A_926 = arith.constant 0 : i32
      %dma_wait3A_927 = tpu.memref_slice %arg6[%dma_wait3A_923, %dma_wait3A_925, %dma_wait3A_926] : memref<5x128x128xf32, #tpu.memory_space<vmem>> -> memref<1x128x128xf32, #tpu.memory_space<vmem>>
      %dma_wait3A_928 = tpu.memref_squeeze %dma_wait3A_927 : memref<1x128x128xf32, #tpu.memory_space<vmem>> -> memref<128x128xf32, #tpu.memory_space<vmem>>
      %dma_wait3A_929 = arith.constant 0 : i32
      %dma_wait3A_930 = tpu.memref_slice %arg5[%add3A_922, %dma_wait3A_929] : memref<50x128xi32, #tpu.memory_space<vmem>> -> memref<1x128xi32, #tpu.memory_space<vmem>>
      %dma_wait3A_931 = tpu.memref_squeeze %dma_wait3A_930 : memref<1x128xi32, #tpu.memory_space<vmem>> -> memref<128xi32, #tpu.memory_space<vmem>>
      %dma_wait3A_932 = arith.constant 0 : i32
      %dma_wait3A_933 = arith.constant 0 : i32
      %dma_wait3A_934 = tpu.memref_slice %arg7[%dma_wait3A_932, %dma_wait3A_933] : memref<1000x128xf32, #tpu.memory_space<vmem_shared>> -> memref<1000x128xf32, #tpu.memory_space<vmem_shared>>
      %dma_wait3A_935 = tpu.memref_slice %arg8[%dma_wait3A_924] : memref<5x!tpu.dma_semaphore, #tpu.memory_space<semaphore_mem>> -> memref<1x!tpu.dma_semaphore, #tpu.memory_space<semaphore_mem>>
      %dma_wait3A_936 = tpu.memref_squeeze %dma_wait3A_935 : memref<1x!tpu.dma_semaphore, #tpu.memory_space<semaphore_mem>> -> memref<!tpu.dma_semaphore, #tpu.memory_space<semaphore_mem>>
      tpu.wait_indirect_dma semaphore(%dma_wait3A_936 : memref<!tpu.dma_semaphore, #tpu.memory_space<semaphore_mem>>) src(%dma_wait3A_934 : memref<1000x128xf32, #tpu.memory_space<vmem_shared>>) dst(%dma_wait3A_928 : memref<128x128xf32, #tpu.memory_space<vmem>>)
      %add3A_937 = arith.constant 3 : i32
      %add3A_938 = arith.addi %mul3A_693, %add3A_937 : i32
      %dma_start3A_939 = arith.constant 3 : i32
      %dma_start3A_940 = arith.constant 3 : i32
      %dma_start3A_941 = arith.constant 0 : i32
      %dma_start3A_942 = arith.constant 0 : i32
      %dma_start3A_943 = tpu.memref_slice %arg6[%dma_start3A_939, %dma_start3A_941, %dma_start3A_942] : memref<5x128x128xf32, #tpu.memory_space<vmem>> -> memref<1x128x128xf32, #tpu.memory_space<vmem>>
      %dma_start3A_944 = tpu.memref_squeeze %dma_start3A_943 : memref<1x128x128xf32, #tpu.memory_space<vmem>> -> memref<128x128xf32, #tpu.memory_space<vmem>>
      %dma_start3A_945 = arith.constant 0 : i32
      %dma_start3A_946 = tpu.memref_slice %arg4[%add3A_938, %mul3A_2, %dma_start3A_945] : memref<50x4096x128xf32, #tpu.memory_space<hbm>> -> memref<1x128x128xf32, #tpu.memory_space<hbm>>
      %dma_start3A_947 = tpu.memref_squeeze %dma_start3A_946 : memref<1x128x128xf32, #tpu.memory_space<hbm>> -> memref<128x128xf32, #tpu.memory_space<hbm>>
      %dma_start3A_948 = tpu.memref_slice %arg9[%dma_start3A_940] : memref<5x!tpu.dma_semaphore, #tpu.memory_space<semaphore_mem>> -> memref<1x!tpu.dma_semaphore, #tpu.memory_space<semaphore_mem>>
      %dma_start3A_949 = tpu.memref_squeeze %dma_start3A_948 : memref<1x!tpu.dma_semaphore, #tpu.memory_space<semaphore_mem>> -> memref<!tpu.dma_semaphore, #tpu.memory_space<semaphore_mem>>
      %dma_start3A_950 = arith.constant 0 : i32
      %dma_start3A_951 = tpu.memref_slice %arg4[%add3A_938, %mul3A_2, %dma_start3A_950] : memref<50x4096x128xf32, #tpu.memory_space<hbm>> -> memref<1x128x128xf32, #tpu.memory_space<hbm>>
      %dma_start3A_952 = tpu.memref_squeeze %dma_start3A_951 : memref<1x128x128xf32, #tpu.memory_space<hbm>> -> memref<128x128xf32, #tpu.memory_space<hbm>>
      %dma_start3A_953 = arith.constant 0 : i32
      %dma_start3A_954 = arith.constant 0 : i32
      %dma_start3A_955 = tpu.memref_slice %arg6[%dma_start3A_939, %dma_start3A_953, %dma_start3A_954] : memref<5x128x128xf32, #tpu.memory_space<vmem>> -> memref<1x128x128xf32, #tpu.memory_space<vmem>>
      %dma_start3A_956 = tpu.memref_squeeze %dma_start3A_955 : memref<1x128x128xf32, #tpu.memory_space<vmem>> -> memref<128x128xf32, #tpu.memory_space<vmem>>
      tpu.enqueue_dma source(%dma_start3A_956 : memref<128x128xf32, #tpu.memory_space<vmem>>) target(%dma_start3A_952 : memref<128x128xf32, #tpu.memory_space<hbm>>) target_semaphore(%dma_start3A_949 : memref<!tpu.dma_semaphore, #tpu.memory_space<semaphore_mem>>)
      %add3A_957 = arith.constant 3 : i32
      %add3A_958 = arith.addi %mul3A_693, %add3A_957 : i32
      %sub3A_959 = arith.constant 2 : i32
      %sub3A_960 = arith.subi %add3A_958, %sub3A_959 : i32
      %dma_wait3A_961 = arith.constant 1 : i32
      %dma_wait3A_962 = arith.constant 1 : i32
      %dma_wait3A_963 = arith.constant 0 : i32
      %dma_wait3A_964 = arith.constant 0 : i32
      %dma_wait3A_965 = tpu.memref_slice %arg6[%dma_wait3A_961, %dma_wait3A_963, %dma_wait3A_964] : memref<5x128x128xf32, #tpu.memory_space<vmem>> -> memref<1x128x128xf32, #tpu.memory_space<vmem>>
      %dma_wait3A_966 = tpu.memref_squeeze %dma_wait3A_965 : memref<1x128x128xf32, #tpu.memory_space<vmem>> -> memref<128x128xf32, #tpu.memory_space<vmem>>
      %dma_wait3A_967 = arith.constant 0 : i32
      %dma_wait3A_968 = tpu.memref_slice %arg4[%sub3A_960, %mul3A_2, %dma_wait3A_967] : memref<50x4096x128xf32, #tpu.memory_space<hbm>> -> memref<1x128x128xf32, #tpu.memory_space<hbm>>
      %dma_wait3A_969 = tpu.memref_squeeze %dma_wait3A_968 : memref<1x128x128xf32, #tpu.memory_space<hbm>> -> memref<128x128xf32, #tpu.memory_space<hbm>>
      %dma_wait3A_970 = tpu.memref_slice %arg9[%dma_wait3A_962] : memref<5x!tpu.dma_semaphore, #tpu.memory_space<semaphore_mem>> -> memref<1x!tpu.dma_semaphore, #tpu.memory_space<semaphore_mem>>
      %dma_wait3A_971 = tpu.memref_squeeze %dma_wait3A_970 : memref<1x!tpu.dma_semaphore, #tpu.memory_space<semaphore_mem>> -> memref<!tpu.dma_semaphore, #tpu.memory_space<semaphore_mem>>
      %dma_wait3A_972 = arith.constant 0 : i32
      %dma_wait3A_973 = tpu.memref_slice %arg4[%sub3A_960, %mul3A_2, %dma_wait3A_972] : memref<50x4096x128xf32, #tpu.memory_space<hbm>> -> memref<1x128x128xf32, #tpu.memory_space<hbm>>
      %dma_wait3A_974 = tpu.memref_squeeze %dma_wait3A_973 : memref<1x128x128xf32, #tpu.memory_space<hbm>> -> memref<128x128xf32, #tpu.memory_space<hbm>>
      %dma_wait3A_975 = arith.constant 0 : i32
      %dma_wait3A_976 = arith.constant 0 : i32
      %dma_wait3A_977 = tpu.memref_slice %arg6[%dma_wait3A_961, %dma_wait3A_975, %dma_wait3A_976] : memref<5x128x128xf32, #tpu.memory_space<vmem>> -> memref<1x128x128xf32, #tpu.memory_space<vmem>>
      %dma_wait3A_978 = tpu.memref_squeeze %dma_wait3A_977 : memref<1x128x128xf32, #tpu.memory_space<vmem>> -> memref<128x128xf32, #tpu.memory_space<vmem>>
      tpu.wait_dma2 semaphore(%dma_wait3A_971 : memref<!tpu.dma_semaphore, #tpu.memory_space<semaphore_mem>>) src(%dma_wait3A_978 : memref<128x128xf32, #tpu.memory_space<vmem>>) dst(%dma_wait3A_974 : memref<128x128xf32, #tpu.memory_space<hbm>>)
      %add3A_979 = arith.constant 3 : i32
      %add3A_980 = arith.addi %mul3A_693, %add3A_979 : i32
      %add3A_981 = arith.constant 3 : i32
      %add3A_982 = arith.addi %add3A_980, %add3A_981 : i32
      %dma_start3A_983 = arith.constant 1 : i32
      %dma_start3A_984 = arith.constant 1 : i32
      %dma_start3A_985 = arith.constant 0 : i32
      %dma_start3A_986 = arith.constant 0 : i32
      %dma_start3A_987 = tpu.memref_slice %arg6[%dma_start3A_983, %dma_start3A_985, %dma_start3A_986] : memref<5x128x128xf32, #tpu.memory_space<vmem>> -> memref<1x128x128xf32, #tpu.memory_space<vmem>>
      %dma_start3A_988 = tpu.memref_squeeze %dma_start3A_987 : memref<1x128x128xf32, #tpu.memory_space<vmem>> -> memref<128x128xf32, #tpu.memory_space<vmem>>
      %dma_start3A_989 = arith.constant 0 : i32
      %dma_start3A_990 = tpu.memref_slice %arg5[%add3A_982, %dma_start3A_989] : memref<50x128xi32, #tpu.memory_space<vmem>> -> memref<1x128xi32, #tpu.memory_space<vmem>>
      %dma_start3A_991 = tpu.memref_squeeze %dma_start3A_990 : memref<1x128xi32, #tpu.memory_space<vmem>> -> memref<128xi32, #tpu.memory_space<vmem>>
      %dma_start3A_992 = arith.constant 0 : i32
      %dma_start3A_993 = arith.constant 0 : i32
      %dma_start3A_994 = tpu.memref_slice %arg7[%dma_start3A_992, %dma_start3A_993] : memref<1000x128xf32, #tpu.memory_space<vmem_shared>> -> memref<1000x128xf32, #tpu.memory_space<vmem_shared>>
      %dma_start3A_995 = tpu.memref_slice %arg8[%dma_start3A_984] : memref<5x!tpu.dma_semaphore, #tpu.memory_space<semaphore_mem>> -> memref<1x!tpu.dma_semaphore, #tpu.memory_space<semaphore_mem>>
      %dma_start3A_996 = tpu.memref_squeeze %dma_start3A_995 : memref<1x!tpu.dma_semaphore, #tpu.memory_space<semaphore_mem>> -> memref<!tpu.dma_semaphore, #tpu.memory_space<semaphore_mem>>
      tpu.enqueue_indirect_dma source(%dma_start3A_994 : memref<1000x128xf32, #tpu.memory_space<vmem_shared>>) target(%dma_start3A_988 : memref<128x128xf32, #tpu.memory_space<vmem>>) offsets(%dma_start3A_991 : memref<128xi32, #tpu.memory_space<vmem>>) semaphore(%dma_start3A_996 : memref<!tpu.dma_semaphore, #tpu.memory_space<semaphore_mem>>)
      %add3A_997 = arith.constant 4 : i32
      %add3A_998 = arith.addi %mul3A_693, %add3A_997 : i32
      %dma_wait3A_999 = arith.constant 4 : i32
      %dma_wait3A_1000 = arith.constant 4 : i32
      %dma_wait3A_1001 = arith.constant 0 : i32
      %dma_wait3A_1002 = arith.constant 0 : i32
      %dma_wait3A_1003 = tpu.memref_slice %arg6[%dma_wait3A_999, %dma_wait3A_1001, %dma_wait3A_1002] : memref<5x128x128xf32, #tpu.memory_space<vmem>> -> memref<1x128x128xf32, #tpu.memory_space<vmem>>
      %dma_wait3A_1004 = tpu.memref_squeeze %dma_wait3A_1003 : memref<1x128x128xf32, #tpu.memory_space<vmem>> -> memref<128x128xf32, #tpu.memory_space<vmem>>
      %dma_wait3A_1005 = arith.constant 0 : i32
      %dma_wait3A_1006 = tpu.memref_slice %arg5[%add3A_998, %dma_wait3A_1005] : memref<50x128xi32, #tpu.memory_space<vmem>> -> memref<1x128xi32, #tpu.memory_space<vmem>>
      %dma_wait3A_1007 = tpu.memref_squeeze %dma_wait3A_1006 : memref<1x128xi32, #tpu.memory_space<vmem>> -> memref<128xi32, #tpu.memory_space<vmem>>
      %dma_wait3A_1008 = arith.constant 0 : i32
      %dma_wait3A_1009 = arith.constant 0 : i32
      %dma_wait3A_1010 = tpu.memref_slice %arg7[%dma_wait3A_1008, %dma_wait3A_1009] : memref<1000x128xf32, #tpu.memory_space<vmem_shared>> -> memref<1000x128xf32, #tpu.memory_space<vmem_shared>>
      %dma_wait3A_1011 = tpu.memref_slice %arg8[%dma_wait3A_1000] : memref<5x!tpu.dma_semaphore, #tpu.memory_space<semaphore_mem>> -> memref<1x!tpu.dma_semaphore, #tpu.memory_space<semaphore_mem>>
      %dma_wait3A_1012 = tpu.memref_squeeze %dma_wait3A_1011 : memref<1x!tpu.dma_semaphore, #tpu.memory_space<semaphore_mem>> -> memref<!tpu.dma_semaphore, #tpu.memory_space<semaphore_mem>>
      tpu.wait_indirect_dma semaphore(%dma_wait3A_1012 : memref<!tpu.dma_semaphore, #tpu.memory_space<semaphore_mem>>) src(%dma_wait3A_1010 : memref<1000x128xf32, #tpu.memory_space<vmem_shared>>) dst(%dma_wait3A_1004 : memref<128x128xf32, #tpu.memory_space<vmem>>)
      %add3A_1013 = arith.constant 4 : i32
      %add3A_1014 = arith.addi %mul3A_693, %add3A_1013 : i32
      %dma_start3A_1015 = arith.constant 4 : i32
      %dma_start3A_1016 = arith.constant 4 : i32
      %dma_start3A_1017 = arith.constant 0 : i32
      %dma_start3A_1018 = arith.constant 0 : i32
      %dma_start3A_1019 = tpu.memref_slice %arg6[%dma_start3A_1015, %dma_start3A_1017, %dma_start3A_1018] : memref<5x128x128xf32, #tpu.memory_space<vmem>> -> memref<1x128x128xf32, #tpu.memory_space<vmem>>
      %dma_start3A_1020 = tpu.memref_squeeze %dma_start3A_1019 : memref<1x128x128xf32, #tpu.memory_space<vmem>> -> memref<128x128xf32, #tpu.memory_space<vmem>>
      %dma_start3A_1021 = arith.constant 0 : i32
      %dma_start3A_1022 = tpu.memref_slice %arg4[%add3A_1014, %mul3A_2, %dma_start3A_1021] : memref<50x4096x128xf32, #tpu.memory_space<hbm>> -> memref<1x128x128xf32, #tpu.memory_space<hbm>>
      %dma_start3A_1023 = tpu.memref_squeeze %dma_start3A_1022 : memref<1x128x128xf32, #tpu.memory_space<hbm>> -> memref<128x128xf32, #tpu.memory_space<hbm>>
      %dma_start3A_1024 = tpu.memref_slice %arg9[%dma_start3A_1016] : memref<5x!tpu.dma_semaphore, #tpu.memory_space<semaphore_mem>> -> memref<1x!tpu.dma_semaphore, #tpu.memory_space<semaphore_mem>>
      %dma_start3A_1025 = tpu.memref_squeeze %dma_start3A_1024 : memref<1x!tpu.dma_semaphore, #tpu.memory_space<semaphore_mem>> -> memref<!tpu.dma_semaphore, #tpu.memory_space<semaphore_mem>>
      %dma_start3A_1026 = arith.constant 0 : i32
      %dma_start3A_1027 = tpu.memref_slice %arg4[%add3A_1014, %mul3A_2, %dma_start3A_1026] : memref<50x4096x128xf32, #tpu.memory_space<hbm>> -> memref<1x128x128xf32, #tpu.memory_space<hbm>>
      %dma_start3A_1028 = tpu.memref_squeeze %dma_start3A_1027 : memref<1x128x128xf32, #tpu.memory_space<hbm>> -> memref<128x128xf32, #tpu.memory_space<hbm>>
      %dma_start3A_1029 = arith.constant 0 : i32
      %dma_start3A_1030 = arith.constant 0 : i32
      %dma_start3A_1031 = tpu.memref_slice %arg6[%dma_start3A_1015, %dma_start3A_1029, %dma_start3A_1030] : memref<5x128x128xf32, #tpu.memory_space<vmem>> -> memref<1x128x128xf32, #tpu.memory_space<vmem>>
      %dma_start3A_1032 = tpu.memref_squeeze %dma_start3A_1031 : memref<1x128x128xf32, #tpu.memory_space<vmem>> -> memref<128x128xf32, #tpu.memory_space<vmem>>
      tpu.enqueue_dma source(%dma_start3A_1032 : memref<128x128xf32, #tpu.memory_space<vmem>>) target(%dma_start3A_1028 : memref<128x128xf32, #tpu.memory_space<hbm>>) target_semaphore(%dma_start3A_1025 : memref<!tpu.dma_semaphore, #tpu.memory_space<semaphore_mem>>)
      %add3A_1033 = arith.constant 4 : i32
      %add3A_1034 = arith.addi %mul3A_693, %add3A_1033 : i32
      %sub3A_1035 = arith.constant 2 : i32
      %sub3A_1036 = arith.subi %add3A_1034, %sub3A_1035 : i32
      %dma_wait3A_1037 = arith.constant 2 : i32
      %dma_wait3A_1038 = arith.constant 2 : i32
      %dma_wait3A_1039 = arith.constant 0 : i32
      %dma_wait3A_1040 = arith.constant 0 : i32
      %dma_wait3A_1041 = tpu.memref_slice %arg6[%dma_wait3A_1037, %dma_wait3A_1039, %dma_wait3A_1040] : memref<5x128x128xf32, #tpu.memory_space<vmem>> -> memref<1x128x128xf32, #tpu.memory_space<vmem>>
      %dma_wait3A_1042 = tpu.memref_squeeze %dma_wait3A_1041 : memref<1x128x128xf32, #tpu.memory_space<vmem>> -> memref<128x128xf32, #tpu.memory_space<vmem>>
      %dma_wait3A_1043 = arith.constant 0 : i32
      %dma_wait3A_1044 = tpu.memref_slice %arg4[%sub3A_1036, %mul3A_2, %dma_wait3A_1043] : memref<50x4096x128xf32, #tpu.memory_space<hbm>> -> memref<1x128x128xf32, #tpu.memory_space<hbm>>
      %dma_wait3A_1045 = tpu.memref_squeeze %dma_wait3A_1044 : memref<1x128x128xf32, #tpu.memory_space<hbm>> -> memref<128x128xf32, #tpu.memory_space<hbm>>
      %dma_wait3A_1046 = tpu.memref_slice %arg9[%dma_wait3A_1038] : memref<5x!tpu.dma_semaphore, #tpu.memory_space<semaphore_mem>> -> memref<1x!tpu.dma_semaphore, #tpu.memory_space<semaphore_mem>>
      %dma_wait3A_1047 = tpu.memref_squeeze %dma_wait3A_1046 : memref<1x!tpu.dma_semaphore, #tpu.memory_space<semaphore_mem>> -> memref<!tpu.dma_semaphore, #tpu.memory_space<semaphore_mem>>
      %dma_wait3A_1048 = arith.constant 0 : i32
      %dma_wait3A_1049 = tpu.memref_slice %arg4[%sub3A_1036, %mul3A_2, %dma_wait3A_1048] : memref<50x4096x128xf32, #tpu.memory_space<hbm>> -> memref<1x128x128xf32, #tpu.memory_space<hbm>>
      %dma_wait3A_1050 = tpu.memref_squeeze %dma_wait3A_1049 : memref<1x128x128xf32, #tpu.memory_space<hbm>> -> memref<128x128xf32, #tpu.memory_space<hbm>>
      %dma_wait3A_1051 = arith.constant 0 : i32
      %dma_wait3A_1052 = arith.constant 0 : i32
      %dma_wait3A_1053 = tpu.memref_slice %arg6[%dma_wait3A_1037, %dma_wait3A_1051, %dma_wait3A_1052] : memref<5x128x128xf32, #tpu.memory_space<vmem>> -> memref<1x128x128xf32, #tpu.memory_space<vmem>>
      %dma_wait3A_1054 = tpu.memref_squeeze %dma_wait3A_1053 : memref<1x128x128xf32, #tpu.memory_space<vmem>> -> memref<128x128xf32, #tpu.memory_space<vmem>>
      tpu.wait_dma2 semaphore(%dma_wait3A_1047 : memref<!tpu.dma_semaphore, #tpu.memory_space<semaphore_mem>>) src(%dma_wait3A_1054 : memref<128x128xf32, #tpu.memory_space<vmem>>) dst(%dma_wait3A_1050 : memref<128x128xf32, #tpu.memory_space<hbm>>)
      %add3A_1055 = arith.constant 4 : i32
      %add3A_1056 = arith.addi %mul3A_693, %add3A_1055 : i32
      %add3A_1057 = arith.constant 3 : i32
      %add3A_1058 = arith.addi %add3A_1056, %add3A_1057 : i32
      %dma_start3A_1059 = arith.constant 2 : i32
      %dma_start3A_1060 = arith.constant 2 : i32
      %dma_start3A_1061 = arith.constant 0 : i32
      %dma_start3A_1062 = arith.constant 0 : i32
      %dma_start3A_1063 = tpu.memref_slice %arg6[%dma_start3A_1059, %dma_start3A_1061, %dma_start3A_1062] : memref<5x128x128xf32, #tpu.memory_space<vmem>> -> memref<1x128x128xf32, #tpu.memory_space<vmem>>
      %dma_start3A_1064 = tpu.memref_squeeze %dma_start3A_1063 : memref<1x128x128xf32, #tpu.memory_space<vmem>> -> memref<128x128xf32, #tpu.memory_space<vmem>>
      %dma_start3A_1065 = arith.constant 0 : i32
      %dma_start3A_1066 = tpu.memref_slice %arg5[%add3A_1058, %dma_start3A_1065] : memref<50x128xi32, #tpu.memory_space<vmem>> -> memref<1x128xi32, #tpu.memory_space<vmem>>
      %dma_start3A_1067 = tpu.memref_squeeze %dma_start3A_1066 : memref<1x128xi32, #tpu.memory_space<vmem>> -> memref<128xi32, #tpu.memory_space<vmem>>
      %dma_start3A_1068 = arith.constant 0 : i32
      %dma_start3A_1069 = arith.constant 0 : i32
      %dma_start3A_1070 = tpu.memref_slice %arg7[%dma_start3A_1068, %dma_start3A_1069] : memref<1000x128xf32, #tpu.memory_space<vmem_shared>> -> memref<1000x128xf32, #tpu.memory_space<vmem_shared>>
      %dma_start3A_1071 = tpu.memref_slice %arg8[%dma_start3A_1060] : memref<5x!tpu.dma_semaphore, #tpu.memory_space<semaphore_mem>> -> memref<1x!tpu.dma_semaphore, #tpu.memory_space<semaphore_mem>>
      %dma_start3A_1072 = tpu.memref_squeeze %dma_start3A_1071 : memref<1x!tpu.dma_semaphore, #tpu.memory_space<semaphore_mem>> -> memref<!tpu.dma_semaphore, #tpu.memory_space<semaphore_mem>>
      tpu.enqueue_indirect_dma source(%dma_start3A_1070 : memref<1000x128xf32, #tpu.memory_space<vmem_shared>>) target(%dma_start3A_1064 : memref<128x128xf32, #tpu.memory_space<vmem>>) offsets(%dma_start3A_1067 : memref<128xi32, #tpu.memory_space<vmem>>) semaphore(%dma_start3A_1072 : memref<!tpu.dma_semaphore, #tpu.memory_space<semaphore_mem>>)
    }
    %scan3A_353 = arith.constant 8 : i32
    %dma_wait3A_354 = arith.constant 45 : i32
    %dma_wait3A_355 = arith.constant 0 : i32
    %dma_wait3A_356 = arith.constant 0 : i32
    %dma_wait3A_357 = arith.constant 0 : i32
    %dma_wait3A_358 = arith.constant 0 : i32
    %dma_wait3A_359 = tpu.memref_slice %arg6[%dma_wait3A_355, %dma_wait3A_357, %dma_wait3A_358] : memref<5x128x128xf32, #tpu.memory_space<vmem>> -> memref<1x128x128xf32, #tpu.memory_space<vmem>>
    %dma_wait3A_360 = tpu.memref_squeeze %dma_wait3A_359 : memref<1x128x128xf32, #tpu.memory_space<vmem>> -> memref<128x128xf32, #tpu.memory_space<vmem>>
    %dma_wait3A_361 = arith.constant 0 : i32
    %dma_wait3A_362 = tpu.memref_slice %arg5[%dma_wait3A_354, %dma_wait3A_361] : memref<50x128xi32, #tpu.memory_space<vmem>> -> memref<1x128xi32, #tpu.memory_space<vmem>>
    %dma_wait3A_363 = tpu.memref_squeeze %dma_wait3A_362 : memref<1x128xi32, #tpu.memory_space<vmem>> -> memref<128xi32, #tpu.memory_space<vmem>>
    %dma_wait3A_364 = arith.constant 0 : i32
    %dma_wait3A_365 = arith.constant 0 : i32
    %dma_wait3A_366 = tpu.memref_slice %arg7[%dma_wait3A_364, %dma_wait3A_365] : memref<1000x128xf32, #tpu.memory_space<vmem_shared>> -> memref<1000x128xf32, #tpu.memory_space<vmem_shared>>
    %dma_wait3A_367 = tpu.memref_slice %arg8[%dma_wait3A_356] : memref<5x!tpu.dma_semaphore, #tpu.memory_space<semaphore_mem>> -> memref<1x!tpu.dma_semaphore, #tpu.memory_space<semaphore_mem>>
    %dma_wait3A_368 = tpu.memref_squeeze %dma_wait3A_367 : memref<1x!tpu.dma_semaphore, #tpu.memory_space<semaphore_mem>> -> memref<!tpu.dma_semaphore, #tpu.memory_space<semaphore_mem>>
    tpu.wait_indirect_dma semaphore(%dma_wait3A_368 : memref<!tpu.dma_semaphore, #tpu.memory_space<semaphore_mem>>) src(%dma_wait3A_366 : memref<1000x128xf32, #tpu.memory_space<vmem_shared>>) dst(%dma_wait3A_360 : memref<128x128xf32, #tpu.memory_space<vmem>>)
    %dma_start3A_369 = arith.constant 0 : i32
    %dma_start3A_370 = arith.constant 45 : i32
    %dma_start3A_371 = arith.constant 0 : i32
    %dma_start3A_372 = arith.constant 0 : i32
    %dma_start3A_373 = arith.constant 0 : i32
    %dma_start3A_374 = tpu.memref_slice %arg6[%dma_start3A_369, %dma_start3A_372, %dma_start3A_373] : memref<5x128x128xf32, #tpu.memory_space<vmem>> -> memref<1x128x128xf32, #tpu.memory_space<vmem>>
    %dma_start3A_375 = tpu.memref_squeeze %dma_start3A_374 : memref<1x128x128xf32, #tpu.memory_space<vmem>> -> memref<128x128xf32, #tpu.memory_space<vmem>>
    %dma_start3A_376 = arith.constant 0 : i32
    %dma_start3A_377 = tpu.memref_slice %arg4[%dma_start3A_370, %mul3A_2, %dma_start3A_376] : memref<50x4096x128xf32, #tpu.memory_space<hbm>> -> memref<1x128x128xf32, #tpu.memory_space<hbm>>
    %dma_start3A_378 = tpu.memref_squeeze %dma_start3A_377 : memref<1x128x128xf32, #tpu.memory_space<hbm>> -> memref<128x128xf32, #tpu.memory_space<hbm>>
    %dma_start3A_379 = tpu.memref_slice %arg9[%dma_start3A_371] : memref<5x!tpu.dma_semaphore, #tpu.memory_space<semaphore_mem>> -> memref<1x!tpu.dma_semaphore, #tpu.memory_space<semaphore_mem>>
    %dma_start3A_380 = tpu.memref_squeeze %dma_start3A_379 : memref<1x!tpu.dma_semaphore, #tpu.memory_space<semaphore_mem>> -> memref<!tpu.dma_semaphore, #tpu.memory_space<semaphore_mem>>
    %dma_start3A_381 = arith.constant 0 : i32
    %dma_start3A_382 = tpu.memref_slice %arg4[%dma_start3A_370, %mul3A_2, %dma_start3A_381] : memref<50x4096x128xf32, #tpu.memory_space<hbm>> -> memref<1x128x128xf32, #tpu.memory_space<hbm>>
    %dma_start3A_383 = tpu.memref_squeeze %dma_start3A_382 : memref<1x128x128xf32, #tpu.memory_space<hbm>> -> memref<128x128xf32, #tpu.memory_space<hbm>>
    %dma_start3A_384 = arith.constant 0 : i32
    %dma_start3A_385 = arith.constant 0 : i32
    %dma_start3A_386 = tpu.memref_slice %arg6[%dma_start3A_369, %dma_start3A_384, %dma_start3A_385] : memref<5x128x128xf32, #tpu.memory_space<vmem>> -> memref<1x128x128xf32, #tpu.memory_space<vmem>>
    %dma_start3A_387 = tpu.memref_squeeze %dma_start3A_386 : memref<1x128x128xf32, #tpu.memory_space<vmem>> -> memref<128x128xf32, #tpu.memory_space<vmem>>
    tpu.enqueue_dma source(%dma_start3A_387 : memref<128x128xf32, #tpu.memory_space<vmem>>) target(%dma_start3A_383 : memref<128x128xf32, #tpu.memory_space<hbm>>) target_semaphore(%dma_start3A_380 : memref<!tpu.dma_semaphore, #tpu.memory_space<semaphore_mem>>)
    %dma_wait3A_388 = arith.constant 3 : i32
    %dma_wait3A_389 = arith.constant 43 : i32
    %dma_wait3A_390 = arith.constant 3 : i32
    %dma_wait3A_391 = arith.constant 0 : i32
    %dma_wait3A_392 = arith.constant 0 : i32
    %dma_wait3A_393 = tpu.memref_slice %arg6[%dma_wait3A_388, %dma_wait3A_391, %dma_wait3A_392] : memref<5x128x128xf32, #tpu.memory_space<vmem>> -> memref<1x128x128xf32, #tpu.memory_space<vmem>>
    %dma_wait3A_394 = tpu.memref_squeeze %dma_wait3A_393 : memref<1x128x128xf32, #tpu.memory_space<vmem>> -> memref<128x128xf32, #tpu.memory_space<vmem>>
    %dma_wait3A_395 = arith.constant 0 : i32
    %dma_wait3A_396 = tpu.memref_slice %arg4[%dma_wait3A_389, %mul3A_2, %dma_wait3A_395] : memref<50x4096x128xf32, #tpu.memory_space<hbm>> -> memref<1x128x128xf32, #tpu.memory_space<hbm>>
    %dma_wait3A_397 = tpu.memref_squeeze %dma_wait3A_396 : memref<1x128x128xf32, #tpu.memory_space<hbm>> -> memref<128x128xf32, #tpu.memory_space<hbm>>
    %dma_wait3A_398 = tpu.memref_slice %arg9[%dma_wait3A_390] : memref<5x!tpu.dma_semaphore, #tpu.memory_space<semaphore_mem>> -> memref<1x!tpu.dma_semaphore, #tpu.memory_space<semaphore_mem>>
    %dma_wait3A_399 = tpu.memref_squeeze %dma_wait3A_398 : memref<1x!tpu.dma_semaphore, #tpu.memory_space<semaphore_mem>> -> memref<!tpu.dma_semaphore, #tpu.memory_space<semaphore_mem>>
    %dma_wait3A_400 = arith.constant 0 : i32
    %dma_wait3A_401 = tpu.memref_slice %arg4[%dma_wait3A_389, %mul3A_2, %dma_wait3A_400] : memref<50x4096x128xf32, #tpu.memory_space<hbm>> -> memref<1x128x128xf32, #tpu.memory_space<hbm>>
    %dma_wait3A_402 = tpu.memref_squeeze %dma_wait3A_401 : memref<1x128x128xf32, #tpu.memory_space<hbm>> -> memref<128x128xf32, #tpu.memory_space<hbm>>
    %dma_wait3A_403 = arith.constant 0 : i32
    %dma_wait3A_404 = arith.constant 0 : i32
    %dma_wait3A_405 = tpu.memref_slice %arg6[%dma_wait3A_388, %dma_wait3A_403, %dma_wait3A_404] : memref<5x128x128xf32, #tpu.memory_space<vmem>> -> memref<1x128x128xf32, #tpu.memory_space<vmem>>
    %dma_wait3A_406 = tpu.memref_squeeze %dma_wait3A_405 : memref<1x128x128xf32, #tpu.memory_space<vmem>> -> memref<128x128xf32, #tpu.memory_space<vmem>>
    tpu.wait_dma2 semaphore(%dma_wait3A_399 : memref<!tpu.dma_semaphore, #tpu.memory_space<semaphore_mem>>) src(%dma_wait3A_406 : memref<128x128xf32, #tpu.memory_space<vmem>>) dst(%dma_wait3A_402 : memref<128x128xf32, #tpu.memory_space<hbm>>)
    %dma_start3A_407 = arith.constant 48 : i32
    %dma_start3A_408 = arith.constant 3 : i32
    %dma_start3A_409 = arith.constant 3 : i32
    %dma_start3A_410 = arith.constant 0 : i32
    %dma_start3A_411 = arith.constant 0 : i32
    %dma_start3A_412 = tpu.memref_slice %arg6[%dma_start3A_408, %dma_start3A_410, %dma_start3A_411] : memref<5x128x128xf32, #tpu.memory_space<vmem>> -> memref<1x128x128xf32, #tpu.memory_space<vmem>>
    %dma_start3A_413 = tpu.memref_squeeze %dma_start3A_412 : memref<1x128x128xf32, #tpu.memory_space<vmem>> -> memref<128x128xf32, #tpu.memory_space<vmem>>
    %dma_start3A_414 = arith.constant 0 : i32
    %dma_start3A_415 = tpu.memref_slice %arg5[%dma_start3A_407, %dma_start3A_414] : memref<50x128xi32, #tpu.memory_space<vmem>> -> memref<1x128xi32, #tpu.memory_space<vmem>>
    %dma_start3A_416 = tpu.memref_squeeze %dma_start3A_415 : memref<1x128xi32, #tpu.memory_space<vmem>> -> memref<128xi32, #tpu.memory_space<vmem>>
    %dma_start3A_417 = arith.constant 0 : i32
    %dma_start3A_418 = arith.constant 0 : i32
    %dma_start3A_419 = tpu.memref_slice %arg7[%dma_start3A_417, %dma_start3A_418] : memref<1000x128xf32, #tpu.memory_space<vmem_shared>> -> memref<1000x128xf32, #tpu.memory_space<vmem_shared>>
    %dma_start3A_420 = tpu.memref_slice %arg8[%dma_start3A_409] : memref<5x!tpu.dma_semaphore, #tpu.memory_space<semaphore_mem>> -> memref<1x!tpu.dma_semaphore, #tpu.memory_space<semaphore_mem>>
    %dma_start3A_421 = tpu.memref_squeeze %dma_start3A_420 : memref<1x!tpu.dma_semaphore, #tpu.memory_space<semaphore_mem>> -> memref<!tpu.dma_semaphore, #tpu.memory_space<semaphore_mem>>
    tpu.enqueue_indirect_dma source(%dma_start3A_419 : memref<1000x128xf32, #tpu.memory_space<vmem_shared>>) target(%dma_start3A_413 : memref<128x128xf32, #tpu.memory_space<vmem>>) offsets(%dma_start3A_416 : memref<128xi32, #tpu.memory_space<vmem>>) semaphore(%dma_start3A_421 : memref<!tpu.dma_semaphore, #tpu.memory_space<semaphore_mem>>)
    %dma_wait3A_422 = arith.constant 46 : i32
    %dma_wait3A_423 = arith.constant 1 : i32
    %dma_wait3A_424 = arith.constant 1 : i32
    %dma_wait3A_425 = arith.constant 0 : i32
    %dma_wait3A_426 = arith.constant 0 : i32
    %dma_wait3A_427 = tpu.memref_slice %arg6[%dma_wait3A_423, %dma_wait3A_425, %dma_wait3A_426] : memref<5x128x128xf32, #tpu.memory_space<vmem>> -> memref<1x128x128xf32, #tpu.memory_space<vmem>>
    %dma_wait3A_428 = tpu.memref_squeeze %dma_wait3A_427 : memref<1x128x128xf32, #tpu.memory_space<vmem>> -> memref<128x128xf32, #tpu.memory_space<vmem>>
    %dma_wait3A_429 = arith.constant 0 : i32
    %dma_wait3A_430 = tpu.memref_slice %arg5[%dma_wait3A_422, %dma_wait3A_429] : memref<50x128xi32, #tpu.memory_space<vmem>> -> memref<1x128xi32, #tpu.memory_space<vmem>>
    %dma_wait3A_431 = tpu.memref_squeeze %dma_wait3A_430 : memref<1x128xi32, #tpu.memory_space<vmem>> -> memref<128xi32, #tpu.memory_space<vmem>>
    %dma_wait3A_432 = arith.constant 0 : i32
    %dma_wait3A_433 = arith.constant 0 : i32
    %dma_wait3A_434 = tpu.memref_slice %arg7[%dma_wait3A_432, %dma_wait3A_433] : memref<1000x128xf32, #tpu.memory_space<vmem_shared>> -> memref<1000x128xf32, #tpu.memory_space<vmem_shared>>
    %dma_wait3A_435 = tpu.memref_slice %arg8[%dma_wait3A_424] : memref<5x!tpu.dma_semaphore, #tpu.memory_space<semaphore_mem>> -> memref<1x!tpu.dma_semaphore, #tpu.memory_space<semaphore_mem>>
    %dma_wait3A_436 = tpu.memref_squeeze %dma_wait3A_435 : memref<1x!tpu.dma_semaphore, #tpu.memory_space<semaphore_mem>> -> memref<!tpu.dma_semaphore, #tpu.memory_space<semaphore_mem>>
    tpu.wait_indirect_dma semaphore(%dma_wait3A_436 : memref<!tpu.dma_semaphore, #tpu.memory_space<semaphore_mem>>) src(%dma_wait3A_434 : memref<1000x128xf32, #tpu.memory_space<vmem_shared>>) dst(%dma_wait3A_428 : memref<128x128xf32, #tpu.memory_space<vmem>>)
    %dma_start3A_437 = arith.constant 1 : i32
    %dma_start3A_438 = arith.constant 46 : i32
    %dma_start3A_439 = arith.constant 1 : i32
    %dma_start3A_440 = arith.constant 0 : i32
    %dma_start3A_441 = arith.constant 0 : i32
    %dma_start3A_442 = tpu.memref_slice %arg6[%dma_start3A_437, %dma_start3A_440, %dma_start3A_441] : memref<5x128x128xf32, #tpu.memory_space<vmem>> -> memref<1x128x128xf32, #tpu.memory_space<vmem>>
    %dma_start3A_443 = tpu.memref_squeeze %dma_start3A_442 : memref<1x128x128xf32, #tpu.memory_space<vmem>> -> memref<128x128xf32, #tpu.memory_space<vmem>>
    %dma_start3A_444 = arith.constant 0 : i32
    %dma_start3A_445 = tpu.memref_slice %arg4[%dma_start3A_438, %mul3A_2, %dma_start3A_444] : memref<50x4096x128xf32, #tpu.memory_space<hbm>> -> memref<1x128x128xf32, #tpu.memory_space<hbm>>
    %dma_start3A_446 = tpu.memref_squeeze %dma_start3A_445 : memref<1x128x128xf32, #tpu.memory_space<hbm>> -> memref<128x128xf32, #tpu.memory_space<hbm>>
    %dma_start3A_447 = tpu.memref_slice %arg9[%dma_start3A_439] : memref<5x!tpu.dma_semaphore, #tpu.memory_space<semaphore_mem>> -> memref<1x!tpu.dma_semaphore, #tpu.memory_space<semaphore_mem>>
    %dma_start3A_448 = tpu.memref_squeeze %dma_start3A_447 : memref<1x!tpu.dma_semaphore, #tpu.memory_space<semaphore_mem>> -> memref<!tpu.dma_semaphore, #tpu.memory_space<semaphore_mem>>
    %dma_start3A_449 = arith.constant 0 : i32
    %dma_start3A_450 = tpu.memref_slice %arg4[%dma_start3A_438, %mul3A_2, %dma_start3A_449] : memref<50x4096x128xf32, #tpu.memory_space<hbm>> -> memref<1x128x128xf32, #tpu.memory_space<hbm>>
    %dma_start3A_451 = tpu.memref_squeeze %dma_start3A_450 : memref<1x128x128xf32, #tpu.memory_space<hbm>> -> memref<128x128xf32, #tpu.memory_space<hbm>>
    %dma_start3A_452 = arith.constant 0 : i32
    %dma_start3A_453 = arith.constant 0 : i32
    %dma_start3A_454 = tpu.memref_slice %arg6[%dma_start3A_437, %dma_start3A_452, %dma_start3A_453] : memref<5x128x128xf32, #tpu.memory_space<vmem>> -> memref<1x128x128xf32, #tpu.memory_space<vmem>>
    %dma_start3A_455 = tpu.memref_squeeze %dma_start3A_454 : memref<1x128x128xf32, #tpu.memory_space<vmem>> -> memref<128x128xf32, #tpu.memory_space<vmem>>
    tpu.enqueue_dma source(%dma_start3A_455 : memref<128x128xf32, #tpu.memory_space<vmem>>) target(%dma_start3A_451 : memref<128x128xf32, #tpu.memory_space<hbm>>) target_semaphore(%dma_start3A_448 : memref<!tpu.dma_semaphore, #tpu.memory_space<semaphore_mem>>)
    %dma_wait3A_456 = arith.constant 4 : i32
    %dma_wait3A_457 = arith.constant 44 : i32
    %dma_wait3A_458 = arith.constant 4 : i32
    %dma_wait3A_459 = arith.constant 0 : i32
    %dma_wait3A_460 = arith.constant 0 : i32
    %dma_wait3A_461 = tpu.memref_slice %arg6[%dma_wait3A_456, %dma_wait3A_459, %dma_wait3A_460] : memref<5x128x128xf32, #tpu.memory_space<vmem>> -> memref<1x128x128xf32, #tpu.memory_space<vmem>>
    %dma_wait3A_462 = tpu.memref_squeeze %dma_wait3A_461 : memref<1x128x128xf32, #tpu.memory_space<vmem>> -> memref<128x128xf32, #tpu.memory_space<vmem>>
    %dma_wait3A_463 = arith.constant 0 : i32
    %dma_wait3A_464 = tpu.memref_slice %arg4[%dma_wait3A_457, %mul3A_2, %dma_wait3A_463] : memref<50x4096x128xf32, #tpu.memory_space<hbm>> -> memref<1x128x128xf32, #tpu.memory_space<hbm>>
    %dma_wait3A_465 = tpu.memref_squeeze %dma_wait3A_464 : memref<1x128x128xf32, #tpu.memory_space<hbm>> -> memref<128x128xf32, #tpu.memory_space<hbm>>
    %dma_wait3A_466 = tpu.memref_slice %arg9[%dma_wait3A_458] : memref<5x!tpu.dma_semaphore, #tpu.memory_space<semaphore_mem>> -> memref<1x!tpu.dma_semaphore, #tpu.memory_space<semaphore_mem>>
    %dma_wait3A_467 = tpu.memref_squeeze %dma_wait3A_466 : memref<1x!tpu.dma_semaphore, #tpu.memory_space<semaphore_mem>> -> memref<!tpu.dma_semaphore, #tpu.memory_space<semaphore_mem>>
    %dma_wait3A_468 = arith.constant 0 : i32
    %dma_wait3A_469 = tpu.memref_slice %arg4[%dma_wait3A_457, %mul3A_2, %dma_wait3A_468] : memref<50x4096x128xf32, #tpu.memory_space<hbm>> -> memref<1x128x128xf32, #tpu.memory_space<hbm>>
    %dma_wait3A_470 = tpu.memref_squeeze %dma_wait3A_469 : memref<1x128x128xf32, #tpu.memory_space<hbm>> -> memref<128x128xf32, #tpu.memory_space<hbm>>
    %dma_wait3A_471 = arith.constant 0 : i32
    %dma_wait3A_472 = arith.constant 0 : i32
    %dma_wait3A_473 = tpu.memref_slice %arg6[%dma_wait3A_456, %dma_wait3A_471, %dma_wait3A_472] : memref<5x128x128xf32, #tpu.memory_space<vmem>> -> memref<1x128x128xf32, #tpu.memory_space<vmem>>
    %dma_wait3A_474 = tpu.memref_squeeze %dma_wait3A_473 : memref<1x128x128xf32, #tpu.memory_space<vmem>> -> memref<128x128xf32, #tpu.memory_space<vmem>>
    tpu.wait_dma2 semaphore(%dma_wait3A_467 : memref<!tpu.dma_semaphore, #tpu.memory_space<semaphore_mem>>) src(%dma_wait3A_474 : memref<128x128xf32, #tpu.memory_space<vmem>>) dst(%dma_wait3A_470 : memref<128x128xf32, #tpu.memory_space<hbm>>)
    %dma_start3A_475 = arith.constant 49 : i32
    %dma_start3A_476 = arith.constant 4 : i32
    %dma_start3A_477 = arith.constant 4 : i32
    %dma_start3A_478 = arith.constant 0 : i32
    %dma_start3A_479 = arith.constant 0 : i32
    %dma_start3A_480 = tpu.memref_slice %arg6[%dma_start3A_476, %dma_start3A_478, %dma_start3A_479] : memref<5x128x128xf32, #tpu.memory_space<vmem>> -> memref<1x128x128xf32, #tpu.memory_space<vmem>>
    %dma_start3A_481 = tpu.memref_squeeze %dma_start3A_480 : memref<1x128x128xf32, #tpu.memory_space<vmem>> -> memref<128x128xf32, #tpu.memory_space<vmem>>
    %dma_start3A_482 = arith.constant 0 : i32
    %dma_start3A_483 = tpu.memref_slice %arg5[%dma_start3A_475, %dma_start3A_482] : memref<50x128xi32, #tpu.memory_space<vmem>> -> memref<1x128xi32, #tpu.memory_space<vmem>>
    %dma_start3A_484 = tpu.memref_squeeze %dma_start3A_483 : memref<1x128xi32, #tpu.memory_space<vmem>> -> memref<128xi32, #tpu.memory_space<vmem>>
    %dma_start3A_485 = arith.constant 0 : i32
    %dma_start3A_486 = arith.constant 0 : i32
    %dma_start3A_487 = tpu.memref_slice %arg7[%dma_start3A_485, %dma_start3A_486] : memref<1000x128xf32, #tpu.memory_space<vmem_shared>> -> memref<1000x128xf32, #tpu.memory_space<vmem_shared>>
    %dma_start3A_488 = tpu.memref_slice %arg8[%dma_start3A_477] : memref<5x!tpu.dma_semaphore, #tpu.memory_space<semaphore_mem>> -> memref<1x!tpu.dma_semaphore, #tpu.memory_space<semaphore_mem>>
    %dma_start3A_489 = tpu.memref_squeeze %dma_start3A_488 : memref<1x!tpu.dma_semaphore, #tpu.memory_space<semaphore_mem>> -> memref<!tpu.dma_semaphore, #tpu.memory_space<semaphore_mem>>
    tpu.enqueue_indirect_dma source(%dma_start3A_487 : memref<1000x128xf32, #tpu.memory_space<vmem_shared>>) target(%dma_start3A_481 : memref<128x128xf32, #tpu.memory_space<vmem>>) offsets(%dma_start3A_484 : memref<128xi32, #tpu.memory_space<vmem>>) semaphore(%dma_start3A_489 : memref<!tpu.dma_semaphore, #tpu.memory_space<semaphore_mem>>)
    %dma_wait3A_490 = arith.constant 47 : i32
    %dma_wait3A_491 = arith.constant 2 : i32
    %dma_wait3A_492 = arith.constant 2 : i32
    %dma_wait3A_493 = arith.constant 0 : i32
    %dma_wait3A_494 = arith.constant 0 : i32
    %dma_wait3A_495 = tpu.memref_slice %arg6[%dma_wait3A_491, %dma_wait3A_493, %dma_wait3A_494] : memref<5x128x128xf32, #tpu.memory_space<vmem>> -> memref<1x128x128xf32, #tpu.memory_space<vmem>>
    %dma_wait3A_496 = tpu.memref_squeeze %dma_wait3A_495 : memref<1x128x128xf32, #tpu.memory_space<vmem>> -> memref<128x128xf32, #tpu.memory_space<vmem>>
    %dma_wait3A_497 = arith.constant 0 : i32
    %dma_wait3A_498 = tpu.memref_slice %arg5[%dma_wait3A_490, %dma_wait3A_497] : memref<50x128xi32, #tpu.memory_space<vmem>> -> memref<1x128xi32, #tpu.memory_space<vmem>>
    %dma_wait3A_499 = tpu.memref_squeeze %dma_wait3A_498 : memref<1x128xi32, #tpu.memory_space<vmem>> -> memref<128xi32, #tpu.memory_space<vmem>>
    %dma_wait3A_500 = arith.constant 0 : i32
    %dma_wait3A_501 = arith.constant 0 : i32
    %dma_wait3A_502 = tpu.memref_slice %arg7[%dma_wait3A_500, %dma_wait3A_501] : memref<1000x128xf32, #tpu.memory_space<vmem_shared>> -> memref<1000x128xf32, #tpu.memory_space<vmem_shared>>
    %dma_wait3A_503 = tpu.memref_slice %arg8[%dma_wait3A_492] : memref<5x!tpu.dma_semaphore, #tpu.memory_space<semaphore_mem>> -> memref<1x!tpu.dma_semaphore, #tpu.memory_space<semaphore_mem>>
    %dma_wait3A_504 = tpu.memref_squeeze %dma_wait3A_503 : memref<1x!tpu.dma_semaphore, #tpu.memory_space<semaphore_mem>> -> memref<!tpu.dma_semaphore, #tpu.memory_space<semaphore_mem>>
    tpu.wait_indirect_dma semaphore(%dma_wait3A_504 : memref<!tpu.dma_semaphore, #tpu.memory_space<semaphore_mem>>) src(%dma_wait3A_502 : memref<1000x128xf32, #tpu.memory_space<vmem_shared>>) dst(%dma_wait3A_496 : memref<128x128xf32, #tpu.memory_space<vmem>>)
    %dma_start3A_505 = arith.constant 2 : i32
    %dma_start3A_506 = arith.constant 47 : i32
    %dma_start3A_507 = arith.constant 2 : i32
    %dma_start3A_508 = arith.constant 0 : i32
    %dma_start3A_509 = arith.constant 0 : i32
    %dma_start3A_510 = tpu.memref_slice %arg6[%dma_start3A_505, %dma_start3A_508, %dma_start3A_509] : memref<5x128x128xf32, #tpu.memory_space<vmem>> -> memref<1x128x128xf32, #tpu.memory_space<vmem>>
    %dma_start3A_511 = tpu.memref_squeeze %dma_start3A_510 : memref<1x128x128xf32, #tpu.memory_space<vmem>> -> memref<128x128xf32, #tpu.memory_space<vmem>>
    %dma_start3A_512 = arith.constant 0 : i32
    %dma_start3A_513 = tpu.memref_slice %arg4[%dma_start3A_506, %mul3A_2, %dma_start3A_512] : memref<50x4096x128xf32, #tpu.memory_space<hbm>> -> memref<1x128x128xf32, #tpu.memory_space<hbm>>
    %dma_start3A_514 = tpu.memref_squeeze %dma_start3A_513 : memref<1x128x128xf32, #tpu.memory_space<hbm>> -> memref<128x128xf32, #tpu.memory_space<hbm>>
    %dma_start3A_515 = tpu.memref_slice %arg9[%dma_start3A_507] : memref<5x!tpu.dma_semaphore, #tpu.memory_space<semaphore_mem>> -> memref<1x!tpu.dma_semaphore, #tpu.memory_space<semaphore_mem>>
    %dma_start3A_516 = tpu.memref_squeeze %dma_start3A_515 : memref<1x!tpu.dma_semaphore, #tpu.memory_space<semaphore_mem>> -> memref<!tpu.dma_semaphore, #tpu.memory_space<semaphore_mem>>
    %dma_start3A_517 = arith.constant 0 : i32
    %dma_start3A_518 = tpu.memref_slice %arg4[%dma_start3A_506, %mul3A_2, %dma_start3A_517] : memref<50x4096x128xf32, #tpu.memory_space<hbm>> -> memref<1x128x128xf32, #tpu.memory_space<hbm>>
    %dma_start3A_519 = tpu.memref_squeeze %dma_start3A_518 : memref<1x128x128xf32, #tpu.memory_space<hbm>> -> memref<128x128xf32, #tpu.memory_space<hbm>>
    %dma_start3A_520 = arith.constant 0 : i32
    %dma_start3A_521 = arith.constant 0 : i32
    %dma_start3A_522 = tpu.memref_slice %arg6[%dma_start3A_505, %dma_start3A_520, %dma_start3A_521] : memref<5x128x128xf32, #tpu.memory_space<vmem>> -> memref<1x128x128xf32, #tpu.memory_space<vmem>>
    %dma_start3A_523 = tpu.memref_squeeze %dma_start3A_522 : memref<1x128x128xf32, #tpu.memory_space<vmem>> -> memref<128x128xf32, #tpu.memory_space<vmem>>
    tpu.enqueue_dma source(%dma_start3A_523 : memref<128x128xf32, #tpu.memory_space<vmem>>) target(%dma_start3A_519 : memref<128x128xf32, #tpu.memory_space<hbm>>) target_semaphore(%dma_start3A_516 : memref<!tpu.dma_semaphore, #tpu.memory_space<semaphore_mem>>)
    %dma_wait3A_524 = arith.constant 0 : i32
    %dma_wait3A_525 = arith.constant 45 : i32
    %dma_wait3A_526 = arith.constant 0 : i32
    %dma_wait3A_527 = arith.constant 0 : i32
    %dma_wait3A_528 = arith.constant 0 : i32
    %dma_wait3A_529 = tpu.memref_slice %arg6[%dma_wait3A_524, %dma_wait3A_527, %dma_wait3A_528] : memref<5x128x128xf32, #tpu.memory_space<vmem>> -> memref<1x128x128xf32, #tpu.memory_space<vmem>>
    %dma_wait3A_530 = tpu.memref_squeeze %dma_wait3A_529 : memref<1x128x128xf32, #tpu.memory_space<vmem>> -> memref<128x128xf32, #tpu.memory_space<vmem>>
    %dma_wait3A_531 = arith.constant 0 : i32
    %dma_wait3A_532 = tpu.memref_slice %arg4[%dma_wait3A_525, %mul3A_2, %dma_wait3A_531] : memref<50x4096x128xf32, #tpu.memory_space<hbm>> -> memref<1x128x128xf32, #tpu.memory_space<hbm>>
    %dma_wait3A_533 = tpu.memref_squeeze %dma_wait3A_532 : memref<1x128x128xf32, #tpu.memory_space<hbm>> -> memref<128x128xf32, #tpu.memory_space<hbm>>
    %dma_wait3A_534 = tpu.memref_slice %arg9[%dma_wait3A_526] : memref<5x!tpu.dma_semaphore, #tpu.memory_space<semaphore_mem>> -> memref<1x!tpu.dma_semaphore, #tpu.memory_space<semaphore_mem>>
    %dma_wait3A_535 = tpu.memref_squeeze %dma_wait3A_534 : memref<1x!tpu.dma_semaphore, #tpu.memory_space<semaphore_mem>> -> memref<!tpu.dma_semaphore, #tpu.memory_space<semaphore_mem>>
    %dma_wait3A_536 = arith.constant 0 : i32
    %dma_wait3A_537 = tpu.memref_slice %arg4[%dma_wait3A_525, %mul3A_2, %dma_wait3A_536] : memref<50x4096x128xf32, #tpu.memory_space<hbm>> -> memref<1x128x128xf32, #tpu.memory_space<hbm>>
    %dma_wait3A_538 = tpu.memref_squeeze %dma_wait3A_537 : memref<1x128x128xf32, #tpu.memory_space<hbm>> -> memref<128x128xf32, #tpu.memory_space<hbm>>
    %dma_wait3A_539 = arith.constant 0 : i32
    %dma_wait3A_540 = arith.constant 0 : i32
    %dma_wait3A_541 = tpu.memref_slice %arg6[%dma_wait3A_524, %dma_wait3A_539, %dma_wait3A_540] : memref<5x128x128xf32, #tpu.memory_space<vmem>> -> memref<1x128x128xf32, #tpu.memory_space<vmem>>
    %dma_wait3A_542 = tpu.memref_squeeze %dma_wait3A_541 : memref<1x128x128xf32, #tpu.memory_space<vmem>> -> memref<128x128xf32, #tpu.memory_space<vmem>>
    tpu.wait_dma2 semaphore(%dma_wait3A_535 : memref<!tpu.dma_semaphore, #tpu.memory_space<semaphore_mem>>) src(%dma_wait3A_542 : memref<128x128xf32, #tpu.memory_space<vmem>>) dst(%dma_wait3A_538 : memref<128x128xf32, #tpu.memory_space<hbm>>)
    %dma_wait3A_543 = arith.constant 48 : i32
    %dma_wait3A_544 = arith.constant 3 : i32
    %dma_wait3A_545 = arith.constant 3 : i32
    %dma_wait3A_546 = arith.constant 0 : i32
    %dma_wait3A_547 = arith.constant 0 : i32
    %dma_wait3A_548 = tpu.memref_slice %arg6[%dma_wait3A_544, %dma_wait3A_546, %dma_wait3A_547] : memref<5x128x128xf32, #tpu.memory_space<vmem>> -> memref<1x128x128xf32, #tpu.memory_space<vmem>>
    %dma_wait3A_549 = tpu.memref_squeeze %dma_wait3A_548 : memref<1x128x128xf32, #tpu.memory_space<vmem>> -> memref<128x128xf32, #tpu.memory_space<vmem>>
    %dma_wait3A_550 = arith.constant 0 : i32
    %dma_wait3A_551 = tpu.memref_slice %arg5[%dma_wait3A_543, %dma_wait3A_550] : memref<50x128xi32, #tpu.memory_space<vmem>> -> memref<1x128xi32, #tpu.memory_space<vmem>>
    %dma_wait3A_552 = tpu.memref_squeeze %dma_wait3A_551 : memref<1x128xi32, #tpu.memory_space<vmem>> -> memref<128xi32, #tpu.memory_space<vmem>>
    %dma_wait3A_553 = arith.constant 0 : i32
    %dma_wait3A_554 = arith.constant 0 : i32
    %dma_wait3A_555 = tpu.memref_slice %arg7[%dma_wait3A_553, %dma_wait3A_554] : memref<1000x128xf32, #tpu.memory_space<vmem_shared>> -> memref<1000x128xf32, #tpu.memory_space<vmem_shared>>
    %dma_wait3A_556 = tpu.memref_slice %arg8[%dma_wait3A_545] : memref<5x!tpu.dma_semaphore, #tpu.memory_space<semaphore_mem>> -> memref<1x!tpu.dma_semaphore, #tpu.memory_space<semaphore_mem>>
    %dma_wait3A_557 = tpu.memref_squeeze %dma_wait3A_556 : memref<1x!tpu.dma_semaphore, #tpu.memory_space<semaphore_mem>> -> memref<!tpu.dma_semaphore, #tpu.memory_space<semaphore_mem>>
    tpu.wait_indirect_dma semaphore(%dma_wait3A_557 : memref<!tpu.dma_semaphore, #tpu.memory_space<semaphore_mem>>) src(%dma_wait3A_555 : memref<1000x128xf32, #tpu.memory_space<vmem_shared>>) dst(%dma_wait3A_549 : memref<128x128xf32, #tpu.memory_space<vmem>>)
    %dma_start3A_558 = arith.constant 3 : i32
    %dma_start3A_559 = arith.constant 48 : i32
    %dma_start3A_560 = arith.constant 3 : i32
    %dma_start3A_561 = arith.constant 0 : i32
    %dma_start3A_562 = arith.constant 0 : i32
    %dma_start3A_563 = tpu.memref_slice %arg6[%dma_start3A_558, %dma_start3A_561, %dma_start3A_562] : memref<5x128x128xf32, #tpu.memory_space<vmem>> -> memref<1x128x128xf32, #tpu.memory_space<vmem>>
    %dma_start3A_564 = tpu.memref_squeeze %dma_start3A_563 : memref<1x128x128xf32, #tpu.memory_space<vmem>> -> memref<128x128xf32, #tpu.memory_space<vmem>>
    %dma_start3A_565 = arith.constant 0 : i32
    %dma_start3A_566 = tpu.memref_slice %arg4[%dma_start3A_559, %mul3A_2, %dma_start3A_565] : memref<50x4096x128xf32, #tpu.memory_space<hbm>> -> memref<1x128x128xf32, #tpu.memory_space<hbm>>
    %dma_start3A_567 = tpu.memref_squeeze %dma_start3A_566 : memref<1x128x128xf32, #tpu.memory_space<hbm>> -> memref<128x128xf32, #tpu.memory_space<hbm>>
    %dma_start3A_568 = tpu.memref_slice %arg9[%dma_start3A_560] : memref<5x!tpu.dma_semaphore, #tpu.memory_space<semaphore_mem>> -> memref<1x!tpu.dma_semaphore, #tpu.memory_space<semaphore_mem>>
    %dma_start3A_569 = tpu.memref_squeeze %dma_start3A_568 : memref<1x!tpu.dma_semaphore, #tpu.memory_space<semaphore_mem>> -> memref<!tpu.dma_semaphore, #tpu.memory_space<semaphore_mem>>
    %dma_start3A_570 = arith.constant 0 : i32
    %dma_start3A_571 = tpu.memref_slice %arg4[%dma_start3A_559, %mul3A_2, %dma_start3A_570] : memref<50x4096x128xf32, #tpu.memory_space<hbm>> -> memref<1x128x128xf32, #tpu.memory_space<hbm>>
    %dma_start3A_572 = tpu.memref_squeeze %dma_start3A_571 : memref<1x128x128xf32, #tpu.memory_space<hbm>> -> memref<128x128xf32, #tpu.memory_space<hbm>>
    %dma_start3A_573 = arith.constant 0 : i32
    %dma_start3A_574 = arith.constant 0 : i32
    %dma_start3A_575 = tpu.memref_slice %arg6[%dma_start3A_558, %dma_start3A_573, %dma_start3A_574] : memref<5x128x128xf32, #tpu.memory_space<vmem>> -> memref<1x128x128xf32, #tpu.memory_space<vmem>>
    %dma_start3A_576 = tpu.memref_squeeze %dma_start3A_575 : memref<1x128x128xf32, #tpu.memory_space<vmem>> -> memref<128x128xf32, #tpu.memory_space<vmem>>
    tpu.enqueue_dma source(%dma_start3A_576 : memref<128x128xf32, #tpu.memory_space<vmem>>) target(%dma_start3A_572 : memref<128x128xf32, #tpu.memory_space<hbm>>) target_semaphore(%dma_start3A_569 : memref<!tpu.dma_semaphore, #tpu.memory_space<semaphore_mem>>)
    %dma_wait3A_577 = arith.constant 1 : i32
    %dma_wait3A_578 = arith.constant 46 : i32
    %dma_wait3A_579 = arith.constant 1 : i32
    %dma_wait3A_580 = arith.constant 0 : i32
    %dma_wait3A_581 = arith.constant 0 : i32
    %dma_wait3A_582 = tpu.memref_slice %arg6[%dma_wait3A_577, %dma_wait3A_580, %dma_wait3A_581] : memref<5x128x128xf32, #tpu.memory_space<vmem>> -> memref<1x128x128xf32, #tpu.memory_space<vmem>>
    %dma_wait3A_583 = tpu.memref_squeeze %dma_wait3A_582 : memref<1x128x128xf32, #tpu.memory_space<vmem>> -> memref<128x128xf32, #tpu.memory_space<vmem>>
    %dma_wait3A_584 = arith.constant 0 : i32
    %dma_wait3A_585 = tpu.memref_slice %arg4[%dma_wait3A_578, %mul3A_2, %dma_wait3A_584] : memref<50x4096x128xf32, #tpu.memory_space<hbm>> -> memref<1x128x128xf32, #tpu.memory_space<hbm>>
    %dma_wait3A_586 = tpu.memref_squeeze %dma_wait3A_585 : memref<1x128x128xf32, #tpu.memory_space<hbm>> -> memref<128x128xf32, #tpu.memory_space<hbm>>
    %dma_wait3A_587 = tpu.memref_slice %arg9[%dma_wait3A_579] : memref<5x!tpu.dma_semaphore, #tpu.memory_space<semaphore_mem>> -> memref<1x!tpu.dma_semaphore, #tpu.memory_space<semaphore_mem>>
    %dma_wait3A_588 = tpu.memref_squeeze %dma_wait3A_587 : memref<1x!tpu.dma_semaphore, #tpu.memory_space<semaphore_mem>> -> memref<!tpu.dma_semaphore, #tpu.memory_space<semaphore_mem>>
    %dma_wait3A_589 = arith.constant 0 : i32
    %dma_wait3A_590 = tpu.memref_slice %arg4[%dma_wait3A_578, %mul3A_2, %dma_wait3A_589] : memref<50x4096x128xf32, #tpu.memory_space<hbm>> -> memref<1x128x128xf32, #tpu.memory_space<hbm>>
    %dma_wait3A_591 = tpu.memref_squeeze %dma_wait3A_590 : memref<1x128x128xf32, #tpu.memory_space<hbm>> -> memref<128x128xf32, #tpu.memory_space<hbm>>
    %dma_wait3A_592 = arith.constant 0 : i32
    %dma_wait3A_593 = arith.constant 0 : i32
    %dma_wait3A_594 = tpu.memref_slice %arg6[%dma_wait3A_577, %dma_wait3A_592, %dma_wait3A_593] : memref<5x128x128xf32, #tpu.memory_space<vmem>> -> memref<1x128x128xf32, #tpu.memory_space<vmem>>
    %dma_wait3A_595 = tpu.memref_squeeze %dma_wait3A_594 : memref<1x128x128xf32, #tpu.memory_space<vmem>> -> memref<128x128xf32, #tpu.memory_space<vmem>>
    tpu.wait_dma2 semaphore(%dma_wait3A_588 : memref<!tpu.dma_semaphore, #tpu.memory_space<semaphore_mem>>) src(%dma_wait3A_595 : memref<128x128xf32, #tpu.memory_space<vmem>>) dst(%dma_wait3A_591 : memref<128x128xf32, #tpu.memory_space<hbm>>)
    %dma_wait3A_596 = arith.constant 49 : i32
    %dma_wait3A_597 = arith.constant 4 : i32
    %dma_wait3A_598 = arith.constant 4 : i32
    %dma_wait3A_599 = arith.constant 0 : i32
    %dma_wait3A_600 = arith.constant 0 : i32
    %dma_wait3A_601 = tpu.memref_slice %arg6[%dma_wait3A_597, %dma_wait3A_599, %dma_wait3A_600] : memref<5x128x128xf32, #tpu.memory_space<vmem>> -> memref<1x128x128xf32, #tpu.memory_space<vmem>>
    %dma_wait3A_602 = tpu.memref_squeeze %dma_wait3A_601 : memref<1x128x128xf32, #tpu.memory_space<vmem>> -> memref<128x128xf32, #tpu.memory_space<vmem>>
    %dma_wait3A_603 = arith.constant 0 : i32
    %dma_wait3A_604 = tpu.memref_slice %arg5[%dma_wait3A_596, %dma_wait3A_603] : memref<50x128xi32, #tpu.memory_space<vmem>> -> memref<1x128xi32, #tpu.memory_space<vmem>>
    %dma_wait3A_605 = tpu.memref_squeeze %dma_wait3A_604 : memref<1x128xi32, #tpu.memory_space<vmem>> -> memref<128xi32, #tpu.memory_space<vmem>>
    %dma_wait3A_606 = arith.constant 0 : i32
    %dma_wait3A_607 = arith.constant 0 : i32
    %dma_wait3A_608 = tpu.memref_slice %arg7[%dma_wait3A_606, %dma_wait3A_607] : memref<1000x128xf32, #tpu.memory_space<vmem_shared>> -> memref<1000x128xf32, #tpu.memory_space<vmem_shared>>
    %dma_wait3A_609 = tpu.memref_slice %arg8[%dma_wait3A_598] : memref<5x!tpu.dma_semaphore, #tpu.memory_space<semaphore_mem>> -> memref<1x!tpu.dma_semaphore, #tpu.memory_space<semaphore_mem>>
    %dma_wait3A_610 = tpu.memref_squeeze %dma_wait3A_609 : memref<1x!tpu.dma_semaphore, #tpu.memory_space<semaphore_mem>> -> memref<!tpu.dma_semaphore, #tpu.memory_space<semaphore_mem>>
    tpu.wait_indirect_dma semaphore(%dma_wait3A_610 : memref<!tpu.dma_semaphore, #tpu.memory_space<semaphore_mem>>) src(%dma_wait3A_608 : memref<1000x128xf32, #tpu.memory_space<vmem_shared>>) dst(%dma_wait3A_602 : memref<128x128xf32, #tpu.memory_space<vmem>>)
    %dma_start3A_611 = arith.constant 4 : i32
    %dma_start3A_612 = arith.constant 49 : i32
    %dma_start3A_613 = arith.constant 4 : i32
    %dma_start3A_614 = arith.constant 0 : i32
    %dma_start3A_615 = arith.constant 0 : i32
    %dma_start3A_616 = tpu.memref_slice %arg6[%dma_start3A_611, %dma_start3A_614, %dma_start3A_615] : memref<5x128x128xf32, #tpu.memory_space<vmem>> -> memref<1x128x128xf32, #tpu.memory_space<vmem>>
    %dma_start3A_617 = tpu.memref_squeeze %dma_start3A_616 : memref<1x128x128xf32, #tpu.memory_space<vmem>> -> memref<128x128xf32, #tpu.memory_space<vmem>>
    %dma_start3A_618 = arith.constant 0 : i32
    %dma_start3A_619 = tpu.memref_slice %arg4[%dma_start3A_612, %mul3A_2, %dma_start3A_618] : memref<50x4096x128xf32, #tpu.memory_space<hbm>> -> memref<1x128x128xf32, #tpu.memory_space<hbm>>
    %dma_start3A_620 = tpu.memref_squeeze %dma_start3A_619 : memref<1x128x128xf32, #tpu.memory_space<hbm>> -> memref<128x128xf32, #tpu.memory_space<hbm>>
    %dma_start3A_621 = tpu.memref_slice %arg9[%dma_start3A_613] : memref<5x!tpu.dma_semaphore, #tpu.memory_space<semaphore_mem>> -> memref<1x!tpu.dma_semaphore, #tpu.memory_space<semaphore_mem>>
    %dma_start3A_622 = tpu.memref_squeeze %dma_start3A_621 : memref<1x!tpu.dma_semaphore, #tpu.memory_space<semaphore_mem>> -> memref<!tpu.dma_semaphore, #tpu.memory_space<semaphore_mem>>
    %dma_start3A_623 = arith.constant 0 : i32
    %dma_start3A_624 = tpu.memref_slice %arg4[%dma_start3A_612, %mul3A_2, %dma_start3A_623] : memref<50x4096x128xf32, #tpu.memory_space<hbm>> -> memref<1x128x128xf32, #tpu.memory_space<hbm>>
    %dma_start3A_625 = tpu.memref_squeeze %dma_start3A_624 : memref<1x128x128xf32, #tpu.memory_space<hbm>> -> memref<128x128xf32, #tpu.memory_space<hbm>>
    %dma_start3A_626 = arith.constant 0 : i32
    %dma_start3A_627 = arith.constant 0 : i32
    %dma_start3A_628 = tpu.memref_slice %arg6[%dma_start3A_611, %dma_start3A_626, %dma_start3A_627] : memref<5x128x128xf32, #tpu.memory_space<vmem>> -> memref<1x128x128xf32, #tpu.memory_space<vmem>>
    %dma_start3A_629 = tpu.memref_squeeze %dma_start3A_628 : memref<1x128x128xf32, #tpu.memory_space<vmem>> -> memref<128x128xf32, #tpu.memory_space<vmem>>
    tpu.enqueue_dma source(%dma_start3A_629 : memref<128x128xf32, #tpu.memory_space<vmem>>) target(%dma_start3A_625 : memref<128x128xf32, #tpu.memory_space<hbm>>) target_semaphore(%dma_start3A_622 : memref<!tpu.dma_semaphore, #tpu.memory_space<semaphore_mem>>)
    %dma_wait3A_630 = arith.constant 2 : i32
    %dma_wait3A_631 = arith.constant 47 : i32
    %dma_wait3A_632 = arith.constant 2 : i32
    %dma_wait3A_633 = arith.constant 0 : i32
    %dma_wait3A_634 = arith.constant 0 : i32
    %dma_wait3A_635 = tpu.memref_slice %arg6[%dma_wait3A_630, %dma_wait3A_633, %dma_wait3A_634] : memref<5x128x128xf32, #tpu.memory_space<vmem>> -> memref<1x128x128xf32, #tpu.memory_space<vmem>>
    %dma_wait3A_636 = tpu.memref_squeeze %dma_wait3A_635 : memref<1x128x128xf32, #tpu.memory_space<vmem>> -> memref<128x128xf32, #tpu.memory_space<vmem>>
    %dma_wait3A_637 = arith.constant 0 : i32
    %dma_wait3A_638 = tpu.memref_slice %arg4[%dma_wait3A_631, %mul3A_2, %dma_wait3A_637] : memref<50x4096x128xf32, #tpu.memory_space<hbm>> -> memref<1x128x128xf32, #tpu.memory_space<hbm>>
    %dma_wait3A_639 = tpu.memref_squeeze %dma_wait3A_638 : memref<1x128x128xf32, #tpu.memory_space<hbm>> -> memref<128x128xf32, #tpu.memory_space<hbm>>
    %dma_wait3A_640 = tpu.memref_slice %arg9[%dma_wait3A_632] : memref<5x!tpu.dma_semaphore, #tpu.memory_space<semaphore_mem>> -> memref<1x!tpu.dma_semaphore, #tpu.memory_space<semaphore_mem>>
    %dma_wait3A_641 = tpu.memref_squeeze %dma_wait3A_640 : memref<1x!tpu.dma_semaphore, #tpu.memory_space<semaphore_mem>> -> memref<!tpu.dma_semaphore, #tpu.memory_space<semaphore_mem>>
    %dma_wait3A_642 = arith.constant 0 : i32
    %dma_wait3A_643 = tpu.memref_slice %arg4[%dma_wait3A_631, %mul3A_2, %dma_wait3A_642] : memref<50x4096x128xf32, #tpu.memory_space<hbm>> -> memref<1x128x128xf32, #tpu.memory_space<hbm>>
    %dma_wait3A_644 = tpu.memref_squeeze %dma_wait3A_643 : memref<1x128x128xf32, #tpu.memory_space<hbm>> -> memref<128x128xf32, #tpu.memory_space<hbm>>
    %dma_wait3A_645 = arith.constant 0 : i32
    %dma_wait3A_646 = arith.constant 0 : i32
    %dma_wait3A_647 = tpu.memref_slice %arg6[%dma_wait3A_630, %dma_wait3A_645, %dma_wait3A_646] : memref<5x128x128xf32, #tpu.memory_space<vmem>> -> memref<1x128x128xf32, #tpu.memory_space<vmem>>
    %dma_wait3A_648 = tpu.memref_squeeze %dma_wait3A_647 : memref<1x128x128xf32, #tpu.memory_space<vmem>> -> memref<128x128xf32, #tpu.memory_space<vmem>>
    tpu.wait_dma2 semaphore(%dma_wait3A_641 : memref<!tpu.dma_semaphore, #tpu.memory_space<semaphore_mem>>) src(%dma_wait3A_648 : memref<128x128xf32, #tpu.memory_space<vmem>>) dst(%dma_wait3A_644 : memref<128x128xf32, #tpu.memory_space<hbm>>)
    %dma_wait3A_649 = arith.constant 3 : i32
    %dma_wait3A_650 = arith.constant 48 : i32
    %dma_wait3A_651 = arith.constant 3 : i32
    %dma_wait3A_652 = arith.constant 0 : i32
    %dma_wait3A_653 = arith.constant 0 : i32
    %dma_wait3A_654 = tpu.memref_slice %arg6[%dma_wait3A_649, %dma_wait3A_652, %dma_wait3A_653] : memref<5x128x128xf32, #tpu.memory_space<vmem>> -> memref<1x128x128xf32, #tpu.memory_space<vmem>>
    %dma_wait3A_655 = tpu.memref_squeeze %dma_wait3A_654 : memref<1x128x128xf32, #tpu.memory_space<vmem>> -> memref<128x128xf32, #tpu.memory_space<vmem>>
    %dma_wait3A_656 = arith.constant 0 : i32
    %dma_wait3A_657 = tpu.memref_slice %arg4[%dma_wait3A_650, %mul3A_2, %dma_wait3A_656] : memref<50x4096x128xf32, #tpu.memory_space<hbm>> -> memref<1x128x128xf32, #tpu.memory_space<hbm>>
    %dma_wait3A_658 = tpu.memref_squeeze %dma_wait3A_657 : memref<1x128x128xf32, #tpu.memory_space<hbm>> -> memref<128x128xf32, #tpu.memory_space<hbm>>
    %dma_wait3A_659 = tpu.memref_slice %arg9[%dma_wait3A_651] : memref<5x!tpu.dma_semaphore, #tpu.memory_space<semaphore_mem>> -> memref<1x!tpu.dma_semaphore, #tpu.memory_space<semaphore_mem>>
    %dma_wait3A_660 = tpu.memref_squeeze %dma_wait3A_659 : memref<1x!tpu.dma_semaphore, #tpu.memory_space<semaphore_mem>> -> memref<!tpu.dma_semaphore, #tpu.memory_space<semaphore_mem>>
    %dma_wait3A_661 = arith.constant 0 : i32
    %dma_wait3A_662 = tpu.memref_slice %arg4[%dma_wait3A_650, %mul3A_2, %dma_wait3A_661] : memref<50x4096x128xf32, #tpu.memory_space<hbm>> -> memref<1x128x128xf32, #tpu.memory_space<hbm>>
    %dma_wait3A_663 = tpu.memref_squeeze %dma_wait3A_662 : memref<1x128x128xf32, #tpu.memory_space<hbm>> -> memref<128x128xf32, #tpu.memory_space<hbm>>
    %dma_wait3A_664 = arith.constant 0 : i32
    %dma_wait3A_665 = arith.constant 0 : i32
    %dma_wait3A_666 = tpu.memref_slice %arg6[%dma_wait3A_649, %dma_wait3A_664, %dma_wait3A_665] : memref<5x128x128xf32, #tpu.memory_space<vmem>> -> memref<1x128x128xf32, #tpu.memory_space<vmem>>
    %dma_wait3A_667 = tpu.memref_squeeze %dma_wait3A_666 : memref<1x128x128xf32, #tpu.memory_space<vmem>> -> memref<128x128xf32, #tpu.memory_space<vmem>>
    tpu.wait_dma2 semaphore(%dma_wait3A_660 : memref<!tpu.dma_semaphore, #tpu.memory_space<semaphore_mem>>) src(%dma_wait3A_667 : memref<128x128xf32, #tpu.memory_space<vmem>>) dst(%dma_wait3A_663 : memref<128x128xf32, #tpu.memory_space<hbm>>)
    %dma_wait3A_668 = arith.constant 4 : i32
    %dma_wait3A_669 = arith.constant 49 : i32
    %dma_wait3A_670 = arith.constant 4 : i32
    %dma_wait3A_671 = arith.constant 0 : i32
    %dma_wait3A_672 = arith.constant 0 : i32
    %dma_wait3A_673 = tpu.memref_slice %arg6[%dma_wait3A_668, %dma_wait3A_671, %dma_wait3A_672] : memref<5x128x128xf32, #tpu.memory_space<vmem>> -> memref<1x128x128xf32, #tpu.memory_space<vmem>>
    %dma_wait3A_674 = tpu.memref_squeeze %dma_wait3A_673 : memref<1x128x128xf32, #tpu.memory_space<vmem>> -> memref<128x128xf32, #tpu.memory_space<vmem>>
    %dma_wait3A_675 = arith.constant 0 : i32
    %dma_wait3A_676 = tpu.memref_slice %arg4[%dma_wait3A_669, %mul3A_2, %dma_wait3A_675] : memref<50x4096x128xf32, #tpu.memory_space<hbm>> -> memref<1x128x128xf32, #tpu.memory_space<hbm>>
    %dma_wait3A_677 = tpu.memref_squeeze %dma_wait3A_676 : memref<1x128x128xf32, #tpu.memory_space<hbm>> -> memref<128x128xf32, #tpu.memory_space<hbm>>
    %dma_wait3A_678 = tpu.memref_slice %arg9[%dma_wait3A_670] : memref<5x!tpu.dma_semaphore, #tpu.memory_space<semaphore_mem>> -> memref<1x!tpu.dma_semaphore, #tpu.memory_space<semaphore_mem>>
    %dma_wait3A_679 = tpu.memref_squeeze %dma_wait3A_678 : memref<1x!tpu.dma_semaphore, #tpu.memory_space<semaphore_mem>> -> memref<!tpu.dma_semaphore, #tpu.memory_space<semaphore_mem>>
    %dma_wait3A_680 = arith.constant 0 : i32
    %dma_wait3A_681 = tpu.memref_slice %arg4[%dma_wait3A_669, %mul3A_2, %dma_wait3A_680] : memref<50x4096x128xf32, #tpu.memory_space<hbm>> -> memref<1x128x128xf32, #tpu.memory_space<hbm>>
    %dma_wait3A_682 = tpu.memref_squeeze %dma_wait3A_681 : memref<1x128x128xf32, #tpu.memory_space<hbm>> -> memref<128x128xf32, #tpu.memory_space<hbm>>
    %dma_wait3A_683 = arith.constant 0 : i32
    %dma_wait3A_684 = arith.constant 0 : i32
    %dma_wait3A_685 = tpu.memref_slice %arg6[%dma_wait3A_668, %dma_wait3A_683, %dma_wait3A_684] : memref<5x128x128xf32, #tpu.memory_space<vmem>> -> memref<1x128x128xf32, #tpu.memory_space<vmem>>
    %dma_wait3A_686 = tpu.memref_squeeze %dma_wait3A_685 : memref<1x128x128xf32, #tpu.memory_space<vmem>> -> memref<128x128xf32, #tpu.memory_space<vmem>>
    tpu.wait_dma2 semaphore(%dma_wait3A_679 : memref<!tpu.dma_semaphore, #tpu.memory_space<semaphore_mem>>) src(%dma_wait3A_686 : memref<128x128xf32, #tpu.memory_space<vmem>>) dst(%dma_wait3A_682 : memref<128x128xf32, #tpu.memory_space<hbm>>)
    return
  }
}

</mosaic_0001>

<sc_bundles>
// kernel: kernel.3.cloned.1.call-start
scs
__scs_entry_jumppad:
0x0: {  	(pc) =	sbr.rel $0x88, $3  }
0x1: {  	(tag) =	ssettag $0x0;
	lr =	simm.s32 $0x1  }
0x2: {  	[smem:$0x3F9F] =	sst lr;
	_ =	strace $0xD0000000  }
0x3: {  	_ = 	snop  }
0x4: {  	_ = 	snop  }
0x5: {  	_ = 	snop  }
0x6: {  	_ = 	snop  }
0x7: {  	_ = 	snop  }
__scs_overlays_trampoline_lowered:
0x8: {  	[smem:$0x3FAE] =	sst s0  }
0x9: {  	[smem:$0x3FAF] =	sst s1  }
0xa: {  	[smem:$0x3FB0] =	sst s2  }
0xb: {  	[smem:$0x3FB1] =	sst s3  }
0xc: {  	[smem:$0x3FB2] =	sst s4  }
0xd: {  	[smem:$0x3FB3] =	sst s5  }
0xe: {  	[smem:$0x3FB4] =	sst s6  }
0xf: {  	[smem:$0x3FB5] =	sst s7  }
0x10: {  	[smem:$0x3FB6] =	sst s8  }
0x11: {  	[smem:$0x3FB7] =	sst s9;
	s0 =	simm.s32 @!p0 $0x0  }
0x12: {  	s1 =	sld [smem:$0x3F9D];
	s0 =	simm.s32 @p0 $0x1  }
0x13: {  	[smem:$0x3FB8] =	sst s0;
	s0 =	simm.s32 @!p1 $0x0  }
0x14: {  	s2 =	sld [smem:$0x3F9C];
	s0 =	simm.s32 @p1 $0x1  }
0x15: {  	[smem:$0x3FB9] =	sst s0;
	s0 =	simm.s32 @!p2 $0x0  }
0x16: {  	s3 =	sld [smem:$0x3FDB];
	s0 =	simm.s32 @p2 $0x1  }
0x17: {  	s4 =	simm.s32 $0x1BF5;
	[smem:$0x3FBB] =	sst s0  }
0x18: {  	s0 =	sld [smem:$0x3F9E];
	_ =	swait.ge [sflag:s4], $0x0  }
0x19: {  	s7 =	sld [smem:$0x3F9F]  }
0x1a: {  	s8 =	sadd.s32 $0xFFFFE003, lr  }
0x1b: {  	s9 =	sadd.s32 $0xFFFFFEF7, lr;
	s5 =	simm.s32 $0xFFFFFFFF;
	p2 =	slt.u32 s8, $0xFFFFF086  }
0x1c: {  	p1 =	slt.u32 s9, $0xF7A;
	s5 =	simm.s32 @!p2 $0x0  }
0x1d: {  	s5 =	simm.s32 @p1 $0x1;
	p0 =	seq.s32 s7, s2  }
0x1e: {  	s7 =	smul.u32 @!p0 $0xF7A, s2;
	p2 =	seq.s32 @!p0 s5, $0x0  }
0x1f: {  	s9 =	smul.u32 $0xF7A, s1;
	s8 =	simm.s32 @!p0 $0x1BF5;
	p2 =	por !p2, p0  }
0x20: {  	[sflag:s8] =	ssyncset.s32 @!p0 $0xFFFFF086;
	s6 =	sadd.s32 @!p0 s3, s7;
	s7 =	simm.s32 @!p0 $0x108  }
0x21: {  	s3 =	sadd.s32 s3, s9;
	s6 =	sadd.s32 @!p0 $0x88, s6;
	s7 =	simm.s32 @p2 $0x1082  }
0x22: {  	[simem:s7], [sflag:s8] =	dma.local @!p0 [hbm:s6], $0xF7A  }
0x23: {  	s9 =	sor.u32 $0xD0000000, s2;
	s6 =	simm.s32 $0x108;
	_ =	swait.ge @!p0 [sflag:s8], $0x0  }
0x24: {  	s3 =	sadd.s32 $0x88, s3;
	s6 =	simm.s32 @!p1 $0x1082;
	[sflag:s4] =	ssyncset.s32 $0xFFFFF086  }
0x25: {  	[simem:s6], [sflag:s4] =	dma.local [hbm:s3], $0xF7A  }
0x26: {  	[smem:$0x3F9F] =	sst s1;
	(tag) =	ssettag s2;
	_ =	strace s9  }
0x27: {  	s1 =	sld [smem:$0x3FAF]  }
0x28: {  	s2 =	sld [smem:$0x3FB0]  }
0x29: {  	s4 =	sld [smem:$0x3FB2]  }
0x2a: {  	p0 =	seq.s32 s5, $0x0;
	s5 =	sld [smem:$0x3FB3]  }
0x2b: {  	s6 =	sld [smem:$0x3FB4]  }
0x2c: {  	s7 =	sld [smem:$0x3FB5]  }
0x2d: {  	s3 =	simm.s32 $0x108;
	s8 =	sld [smem:$0x3FB6]  }
0x2e: {  	s3 =	simm.s32 @!p0 $0x1082;
	s9 =	sld [smem:$0x3FB7]  }
0x2f: {  	lr =	sadd.s32 s0, s3;
	s0 =	sld [smem:$0x3FAE]  }
0x30: {  	s3 =	sld [smem:$0x3FB1]  }
0x31: {  	[smem:$0x3FBA] =	sst s10  }
0x32: {  	s10 =	sld [smem:$0x3FB8];
	_ =	sdelay $0x3  }
0x33: {  	p0 =	seq.s32 s10, $0x1;
	s10 =	sld [smem:$0x3FBA];
	_ =	sdelay $0x3  }
0x34: {  	[smem:$0x3FBA] =	sst s10  }
0x35: {  	s10 =	sld [smem:$0x3FB9];
	_ =	sdelay $0x3  }
0x36: {  	p1 =	seq.s32 s10, $0x1;
	s10 =	sld [smem:$0x3FBA];
	_ =	sdelay $0x3  }
0x37: {  	[smem:$0x3FBA] =	sst s10  }
0x38: {  	s10 =	sld [smem:$0x3FBB]  }
0x39: {  	_ = 	snop;
	(pc) =	sbr.ind lr, $3  }
0x3a: {  	_ = 	snop  }
0x3b: {  	_ = 	snop  }
0x3c: {  	p2 =	seq.s32 s10, $0x1;
	s10 =	sld [smem:$0x3FBA]  }
0x3d: {  	_ =	shalt  }
0x3e: {  	_ =	shalt  }
0x3f: {  	_ =	shalt  }
0x40: {  	_ =	shalt  }
0x41: {  	_ =	shalt  }
0x42: {  	_ =	shalt  }
0x43: {  	_ =	shalt  }
0x44: {  	_ =	shalt  }
0x45: {  	_ =	shalt  }
0x46: {  	_ =	shalt  }
0x47: {  	_ =	shalt  }
0x48: {  	_ =	shalt  }
0x49: {  	_ =	shalt  }
0x4a: {  	_ =	shalt  }
0x4b: {  	_ =	shalt  }
0x4c: {  	_ =	shalt  }
0x4d: {  	_ =	shalt  }
0x4e: {  	_ =	shalt  }
0x4f: {  	_ =	shalt  }
0x50: {  	_ =	shalt  }
0x51: {  	_ =	shalt  }
0x52: {  	_ =	shalt  }
0x53: {  	_ =	shalt  }
0x54: {  	_ =	shalt  }
0x55: {  	_ =	shalt  }
0x56: {  	_ =	shalt  }
0x57: {  	_ =	shalt  }
0x58: {  	_ =	shalt  }
0x59: {  	_ =	shalt  }
0x5a: {  	_ =	shalt  }
0x5b: {  	_ =	shalt  }
0x5c: {  	_ =	shalt  }
0x5d: {  	_ =	shalt  }
0x5e: {  	_ =	shalt  }
0x5f: {  	_ =	shalt  }
0x60: {  	_ =	shalt  }
0x61: {  	_ =	shalt  }
0x62: {  	_ =	shalt  }
0x63: {  	_ =	shalt  }
0x64: {  	_ =	shalt  }
0x65: {  	_ =	shalt  }
0x66: {  	_ =	shalt  }
0x67: {  	_ =	shalt  }
0x68: {  	_ =	shalt  }
0x69: {  	_ =	shalt  }
0x6a: {  	_ =	shalt  }
0x6b: {  	_ =	shalt  }
0x6c: {  	_ =	shalt  }
0x6d: {  	_ =	shalt  }
0x6e: {  	_ =	shalt  }
0x6f: {  	_ =	shalt  }
0x70: {  	_ =	shalt  }
0x71: {  	_ =	shalt  }
0x72: {  	_ =	shalt  }
0x73: {  	_ =	shalt  }
0x74: {  	_ =	shalt  }
0x75: {  	_ =	shalt  }
0x76: {  	_ =	shalt  }
0x77: {  	_ =	shalt  }
0x78: {  	_ =	shalt  }
0x79: {  	_ =	shalt  }
0x7a: {  	_ =	shalt  }
0x7b: {  	_ =	shalt  }
0x7c: {  	_ =	shalt  }
0x7d: {  	_ =	shalt  }
0x7e: {  	_ =	shalt  }
0x7f: {  	_ =	shalt  }
0x80: {  	_ =	shalt  }
0x81: {  	_ =	shalt  }
0x82: {  	_ =	shalt  }
0x83: {  	_ =	shalt  }
0x84: {  	_ =	shalt  }
0x85: {  	_ =	shalt  }
0x86: {  	_ =	shalt  }
0x87: {  	_ =	shalt  }
.Lfunc_end0:
.L_simem_size_0:
called_computation_lowered:
.L_overlay_start_0:
0x88: {  	s2 =	sld [smem:$0x3FD9]  }
0x89: {  	s3 =	sld [smem:$0x3FFE];
	_ =	sdelay $0x1  }
0x8a: {  	s1 =	srdreg.scid  }
0x8b: {  	s0 =	sand.u32 $0x1, s1  }
0x8c: {  	s18 =	sshll.u32 s0, $0xA;
	s2 =	sadd.s32 s3, s2  }
0x8d: {  	s2 =	sadd.s32 s2, s18  }
0x8e: {  	[smem:$0x3FC6] =	sst s2  }
0x8f: {  	_ = 	snop  }
0x90: {  	s2 =	sld [smem:$0x3FC9]  }
0x91: {  	s19 =	sld [smem:$0x3FC8]  }
0x92: {  	s4 =	sld [smem:$0x3FD0];
	(tm) =	ssettm $0x1  }
0x93: {  	s5 =	sld [smem:$0x3FFB];
	_ =	sdelay $0x3  }
0x94: {  	_ =	strace s5  }
0x95: {  	s5 =	sld [smem:$0x3FFC];
	_ =	sdelay $0x3  }
0x96: {  	_ =	strace s5  }
0x97: {  	s5 =	sld [smem:$0x3FFD];
	_ =	sdelay $0x3  }
0x98: {  	_ =	strace s5  }
0x99: {  	_ =	strace $0x8FFFFFFF  }
0x9a: {  	s20 =	sld [smem:$0x3FDB];
	_ =	sdelay $0x1  }
0x9b: {  	s6 =	simm.s32 $_scs_section_size  }
0x9c: {  	s7 =	simm.s32 $_size__tile_overlayer_lowered;
	s8 =	simm.s32 $_tile_overlayer_lowered  }
0x9d: {  	s23 =	simm.s32 $0x1BFF;
	s22 =	sshll.u32 s8, $0x1;
	s5 =	sadd.s32 s6, s20  }
0x9e: {  	s9 =	simm.s32 $0x0;
	s21 =	sshll.u32 s7, $0x1;
	s7 =	sadd.s32 s22, s5  }
0x9f: {  	[timem:s9], [sflag:s23] =	dma.local [hbm:s7], s21  }
0xa0: {  	_ =	swait.ge [sflag:s23], s21  }
0xa1: {  	s6 =	ssub.s32 $0x0, s21;
	[sflag:s23] =	ssyncset.done $0x0  }
0xa2: {  	[sflag:s23] =	ssyncadd.s32 s6;
	_ =	sdelay $0x1  }
0xa3: {  	s24 =	simm.s32 $0x1B8B  }
0xa4: {  	_ =	swait.ge [sflag:s24], $0x1  }
0xa5: {  	[sflag:s24] =	ssyncset.done $0x0  }
0xa6: {  	s25 =	simm.s32 $0x1B8E;
	[sflag:s24] =	ssyncadd.s32 $0xFFFFFFFF  }
0xa7: {  	s26 =	simm.s32 $execute0_lowered;
	[smem:$0x3FD2] =	sst s25  }
0xa8: {  	s6 =	sshll.u32 s26, $0x1;
	_ =	strace $0x80000046;
	[dreg:$0x1] =	wrdreg $0xFFFFFFFF  }
0xa9: {  	s28 =	simm.s32 $_size_execute0_lowered;
	s5 =	sadd.s32 s5, s6;
	[dreg:$0x0] =	wrdreg $0x0  }
0xaa: {  	s6 =	sshll.u32 s28, $0x1;
	[dreg:$0x2] =	wrdreg s5  }
0xab: {  	[dreg:$0x3] =	wrdreg s6  }
0xac: {  	[dreg:$0x4] =	wrdreg $0xC0  }
0xad: {  	_ =	task [dreg:s9], $0x5FFFF  }
0xae: {  	[dreg:$0x1] =	wrdreg $0xFFFFFFFF  }
0xaf: {  	[dreg:$0x0] =	wrdreg $0x60  }
0xb0: {  	[dreg:$0x2] =	wrdreg s2  }
0xb1: {  	[dreg:$0x3] =	wrdreg s19  }
0xb2: {  	[dreg:$0x4] =	wrdreg s4  }
0xb3: {  	[dreg:$0x5] =	wrdreg $0x15C000  }
0xb4: {  	[dreg:$0x6] =	wrdreg $0x9  }
0xb5: {  	_ =	task.clear_ibuf [dreg:s9], $0x7FFFF;
	_ =	strace $0x90000046  }
0xb6: {  	s29 =	simm.s32 $0x9;
	_ =	strace $0x80000048  }
0xb7: {  	_ =	swait.ge [sflag:s29], $0x1  }
0xb8: {  	[sflag:s29] =	ssyncadd.s32 $0xFFFFFFFF  }
0xb9: {  	_ =	strace $0x90000048  }
0xba: {  	_ =	sfence  }
0xbb: {  	s30 =	sld [smem:$0x0];
	_ =	sdelay $0x2  }
0xbc: {  	s31 =	sshll.u32 s1, $0xD;
	s1 =	sshrl.u32 s1, $0x2  }
0xbd: {  	s3 =	sand.u32 $0x4000, s31;
	s1 =	sadd.s32 s1, s30  }
0xbe: {  	s0 =	sor.u32 s3, s0;
	s1 =	sshll.u32 s1, $0x11  }
0xbf: {  	s0 =	sor.u32 s1, s0  }
0xc0: {  	s0 =	sadd.s32 $0x8F2B, s0  }
0xc1: {  	[sflag:s0] =	ssyncadd.remote.s32 $0x1  }
0xc2: {  	_ =	sfence.sel $0xFFFF  }
0xc3: {  	[dreg:$0x0] =	wrdreg $0xFFFFFFFF;
	(pc) =	sbr.abs _section_cstart, $3  }
0xc4: {  	[dreg:$0x1] =	wrdreg $0xFFFFFFFF  }
0xc5: {  	_ =	task.clear_ibuf [dreg:s9], $0x2FFFF;
	_ =	strace $0x9FFFFFFF  }
0xc6: {  	(tm) =	ssettm $0x7FFFFFFF  }
0xc7: {  	_ =	shalt  }
tec
execute0_lowered:
.L_overlay_start_1:
0x0: {  	(tag) =	ssettag $0x1  }
0x1: {  	s0 =	rddreg [dreg:$0x0]  }
0x2: {  	s2 =	rddreg [dreg:$0x2]  }
0x3: {  	s3 =	rddreg [dreg:$0x3]  }
0x4: {  	s1 =	srdreg.scid;
	s5 =	stileid.u32;
	s4 =	simm.s32 $0x0  }
0x5: {  	s29 =	simm.s32 $0x80;
	s30 =	simm.s32 $0x1C00;
	s31 =	simm.s32 $0x5C00  }
0x6: {  	s1 =	sand.u32 $0x1, s1;
	s6 =	sshll.u32 s5, $0x8;
	[smem:$0x7FF] =	sst s4  }
0x7: {  	s16 =	sshll.u32 s5, $0xF;
	p0 =	sne.s32 s5, $0x0;
	s5 =	simm.s32 $0x8  }
0x8: {  	s7 =	sshll.u32 s1, $0x7;
	s8 =	ssub.s32 $0x2, s1;
	_ =	strace $0x80000047  }
0x9: {  	s1 =	sshll.u32 s1, $0xE;
	s6 =	sor.u32 s7, s6;
	s28 =	sshrl.u32 s8, $0x1  }
0xa: {  	s9 =	sshll.u32 s6, $0x4;
	s7 =	ssub.s32 s8, s28;
	s10 =	sadd.s32 s0, s6  }
0xb: {  	s0 =	sor.u32 s1, s16;
	s8 =	simm.s32 $0x3;
	s11 =	sadd.s32 s2, s9  }
0xc: {  	s20 =	sor.u32 $0x380000, s0;
	s21 =	sor.u32 $0x300000, s0;
	[dreg:$0x5] =	wrdreg s10  }
0xd: {  	s7 =	smax.u32 s7, $0x1;
	s23 =	sor.u32 $0x480000, s0;
	[dreg:$0x6] =	wrdreg s11  }
0xe: {  	s24 =	sor.u32 $0x400000, s0;
	s28 =	sadd.s32 $0x6000, s10;
	[dreg:$0x10] =	wrdreg s7  }
0xf: {  	s10 =	simm.s32 $0x4;
	s12 =	sadd.s32 $0x10000, s11;
	[dreg:$0x14] =	wrdreg s28  }
0x10: {  	s13 =	sadd.s32 $0x20000, s11;
	s14 =	sadd.s32 $0x30000, s11;
	[dreg:$0x7] =	wrdreg s12  }
0x11: {  	s15 =	sadd.s32 $0x40000, s11;
	s9 =	sadd.s32 $0x2D0000, s11;
	[dreg:$0x8] =	wrdreg s13  }
0x12: {  	s17 =	sadd.s32 $0x2E0000, s11;
	s18 =	sadd.s32 $0x2F0000, s11;
	[dreg:$0x9] =	wrdreg s14  }
0x13: {  	s19 =	sadd.s32 $0x300000, s11;
	s6 =	sadd.s32 $0x310000, s11;
	[dreg:$0xa] =	wrdreg s15  }
0x14: {  	s1 =	sshrl.u32 s20, $0x3;
	s22 =	sshrl.u32 s21, $0x3;
	[dreg:$0xb] =	wrdreg s9  }
0x15: {  	s25 =	sshrl.u32 s23, $0x3;
	s26 =	sshrl.u32 s24, $0x3;
	[dreg:$0xc] =	wrdreg s17  }
0x16: {  	s23 =	simm.s32 $0x1;
	s24 =	simm.s32 $0x2;
	[dreg:$0xd] =	wrdreg s18  }
0x17: {  	s7 =	simm.s32 $0x11C00;
	s11 =	simm.s32 $0x7;
	[dreg:$0xe] =	wrdreg s19  }
0x18: {  	[dreg:$0xf] =	wrdreg s6;
	s1 =	sadd.s32 s1, s2;
	s19 =	sor.u32 $0x280000, s0  }
0x19: {  	s20 =	sadd.s32 s25, s2;
	s21 =	sadd.s32 s26, s2;
	s0 =	sshrl.u32 @!p0 s3, $0x3  }
0x1a: {  	s18 =	simm.s32 $0x1800;
	s9 =	simm.s32 $0x6;
	s12 =	simm.s32 $0x5  }
0x1b: {  	s13 =	simm.s32 $0x9;
	s14 =	simm.s32 $0xA;
	[dreg:$0x11] =	wrdreg s1  }
0x1c: {  	s15 =	simm.s32 $0x0;
	s1 =	sadd.s32 s22, s2;
	[dreg:$0x13] =	wrdreg s0  }
0x1d: {  	s0 =	simm.s32 $0xDC00;
	[dreg:$0x12] =	wrdreg s1;
	s1 =	simm.s32 $0x9C00  }
.LBB2_1:
0x1e: {  	s16 =	rddreg [dreg:$0x1]  }
0x1f: {  	s6 =	simm.s32 @!p0 $0x1C0B;
	s17 =	rddreg [dreg:$0x13]  }
0x20: {  	[spmem:s17], [sflag:s6] =	dma.local @!p0 [hbm:s16], $0x3E80  }
0x21: {  	s6 =	simm.s32 @!p0 $0xB  }
0x22: {  	_ =	swait.ge @!p0 [sflag:s6], $0x3E80  }
0x23: {  	s25 =	simm.s32 $0x400;
	[sflag:s6] =	ssyncset.done @!p0 $0x0  }
0x24: {  	s26 =	simm.s32 $0x8000;
	s22 =	rddreg [dreg:$0x5];
	[sflag:s6] =	ssyncadd.s32 @!p0 $0xFFFFC180  }
0x25: {  	[tilespmem:s4], [sflag:$0xB] =	stream.strided.gather [hbm4b:s22+s25], $0x1800, s26, s25, $0x38;
	[tilespmem:$0x17B40] =	vst v63  }
0x26: {  	s17 =	simm.s32 $0xB;
	s16 =	rddreg [dreg:$0x14]  }
0x27: {  	[tilespmem:s18], [sflag:$0xB] =	stream.linear.gather [hbm4b:s16+s4], $0x100, $0x38;
	[tilespmem:$0x17B40] =	vst v63  }
0x28: {  	_ =	swait.ge [sflag:s17], $0x1900  }
0x29: {  	[sflag:s17] =	ssyncset.done $0x0  }
0x2a: {  	[sflag:s17] =	ssyncadd.s32 $0xFFFFE700  }
0x2b: {  	[bflag:$0x0] =	sbarrier.arrive $0xFFFF  }
0x2c: {  	[tilespmem:s30], [sflag:$0x1] =	stream.indirect.gather [spmem:s3], $0x80, s4, s29, $0xb8;
	[tilespmem:$0x17B40] =	vst v63  }
0x2d: {  	_ = 	snop  }
0x2e: {  	[tilespmem:s31], [sflag:$0x2] =	stream.indirect.gather [spmem:s3], $0x80, s29, s29, $0xb8;
	[tilespmem:$0x17B40] =	vst v63  }
0x2f: {  	s18 =	simm.s32 $0x100  }
0x30: {  	[tilespmem:s1], [sflag:$0x3] =	stream.indirect.gather [spmem:s3], $0x80, s18, s29, $0xb8;
	[tilespmem:$0x17B40] =	vst v63  }
0x31: {  	_ =	swait.ge [sflag:s23], $0x4000  }
0x32: {  	[sflag:s23] =	ssyncset.done $0x0  }
0x33: {  	s22 =	rddreg [dreg:$0x6];
	[sflag:s23] =	ssyncadd.s32 $0xFFFFC000  }
0x34: {  	[hbm4b:s22+s4] =	stream.linear.scatter [tilespmem:s30], [sflag:$0x6], $0x4000, $0x38;
	[tilespmem:$0x17B40] =	vst v63  }
0x35: {  	s25 =	simm.s32 $0x180  }
0x36: {  	[tilespmem:s0], [sflag:$0x4] =	stream.indirect.gather [spmem:s3], $0x80, s25, s29, $0xb8;
	[tilespmem:$0x17B40] =	vst v63  }
0x37: {  	_ =	swait.ge [sflag:s24], $0x4000  }
0x38: {  	[sflag:s24] =	ssyncset.done $0x0  }
0x39: {  	s26 =	rddreg [dreg:$0x7];
	[sflag:s24] =	ssyncadd.s32 $0xFFFFC000  }
0x3a: {  	[hbm4b:s26+s4] =	stream.linear.scatter [tilespmem:s31], [sflag:$0x7], $0x4000, $0x38;
	[tilespmem:$0x17B40] =	vst v63  }
0x3b: {  	s16 =	simm.s32 $0x200  }
0x3c: {  	[tilespmem:s7], [sflag:$0x5] =	stream.indirect.gather [spmem:s3], $0x80, s16, s29, $0xb8;
	[tilespmem:$0x17B40] =	vst v63  }
0x3d: {  	_ =	swait.ge [sflag:s8], $0x4000  }
0x3e: {  	[sflag:s8] =	ssyncset.done $0x0  }
0x3f: {  	s17 =	rddreg [dreg:$0x8];
	[sflag:s8] =	ssyncadd.s32 $0xFFFFC000  }
0x40: {  	[hbm4b:s17+s4] =	stream.linear.scatter [tilespmem:s1], [sflag:$0x8], $0x4000, $0x38;
	[tilespmem:$0x17B40] =	vst v63  }
0x41: {  	_ =	swait.ge [sflag:s9], $0x4000  }
0x42: {  	[sflag:s9] =	ssyncset.done $0x0  }
0x43: {  	s18 =	simm.s32 $0x280;
	[sflag:s9] =	ssyncadd.s32 $0xFFFFC000  }
0x44: {  	[tilespmem:s30], [sflag:$0x1] =	stream.indirect.gather [spmem:s3], $0x80, s18, s29, $0xb8;
	[tilespmem:$0x17B40] =	vst v63  }
0x45: {  	_ =	swait.ge [sflag:s10], $0x4000  }
0x46: {  	[sflag:s10] =	ssyncset.done $0x0  }
0x47: {  	s22 =	rddreg [dreg:$0x9];
	[sflag:s10] =	ssyncadd.s32 $0xFFFFC000  }
0x48: {  	[hbm4b:s22+s4] =	stream.linear.scatter [tilespmem:s0], [sflag:$0x9], $0x4000, $0x38;
	[tilespmem:$0x17B40] =	vst v63  }
0x49: {  	_ =	swait.ge [sflag:s11], $0x4000  }
0x4a: {  	[sflag:s11] =	ssyncset.done $0x0  }
0x4b: {  	s25 =	simm.s32 $0x300;
	[sflag:s11] =	ssyncadd.s32 $0xFFFFC000  }
0x4c: {  	[tilespmem:s31], [sflag:$0x2] =	stream.indirect.gather [spmem:s3], $0x80, s25, s29, $0xb8;
	[tilespmem:$0x17B40] =	vst v63  }
0x4d: {  	_ =	swait.ge [sflag:s12], $0x4000  }
0x4e: {  	[sflag:s12] =	ssyncset.done $0x0  }
0x4f: {  	s26 =	rddreg [dreg:$0xa];
	[sflag:s12] =	ssyncadd.s32 $0xFFFFC000  }
0x50: {  	[hbm4b:s26+s4] =	stream.linear.scatter [tilespmem:s7], [sflag:$0xA], $0x4000, $0x38;
	[tilespmem:$0x17B40] =	vst v63  }
0x51: {  	_ =	swait.ge [sflag:s5], $0x4000  }
0x52: {  	[sflag:s5] =	ssyncset.done $0x0  }
0x53: {  	s16 =	simm.s32 $0x380;
	[sflag:s5] =	ssyncadd.s32 $0xFFFFC000  }
0x54: {  	[tilespmem:s1], [sflag:$0x3] =	stream.indirect.gather [spmem:s3], $0x80, s16, s29, $0xb8;
	[tilespmem:$0x17B40] =	vst v63  }
0x55: {  	_ =	swait.ge [sflag:s23], $0x4000  }
0x56: {  	s17 =	sshrl.u32 s19, $0x3;
	[sflag:s23] =	ssyncset.done $0x0  }
0x57: {  	s6 =	sadd.s32 s2, s17;
	[sflag:s23] =	ssyncadd.s32 $0xFFFFC000  }
0x58: {  	[hbm4b:s6+s4] =	stream.linear.scatter [tilespmem:s30], [sflag:$0x6], $0x4000, $0x38;
	[tilespmem:$0x17B40] =	vst v63  }
0x59: {  	_ =	swait.ge [sflag:s13], $0x4000  }
0x5a: {  	[sflag:s13] =	ssyncset.done $0x0  }
0x5b: {  	s18 =	simm.s32 $0x400;
	[sflag:s13] =	ssyncadd.s32 $0xFFFFC000  }
0x5c: {  	[tilespmem:s0], [sflag:$0x4] =	stream.indirect.gather [spmem:s3], $0x80, s18, s29, $0xb8;
	[tilespmem:$0x17B40] =	vst v63  }
0x5d: {  	_ =	swait.ge [sflag:s24], $0x4000  }
0x5e: {  	[sflag:s24] =	ssyncset.done $0x0  }
0x5f: {  	s17 =	rddreg [dreg:$0x12];
	[sflag:s24] =	ssyncadd.s32 $0xFFFFC000  }
0x60: {  	[hbm4b:s17+s4] =	stream.linear.scatter [tilespmem:s31], [sflag:$0x7], $0x4000, $0x38;
	[tilespmem:$0x17B40] =	vst v63  }
0x61: {  	_ =	swait.ge [sflag:s14], $0x4000  }
0x62: {  	[sflag:s14] =	ssyncset.done $0x0  }
0x63: {  	s22 =	simm.s32 $0x480;
	[sflag:s14] =	ssyncadd.s32 $0xFFFFC000  }
0x64: {  	[tilespmem:s7], [sflag:$0x5] =	stream.indirect.gather [spmem:s3], $0x80, s22, s29, $0xb8;
	[tilespmem:$0x17B40] =	vst v63  }
0x65: {  	_ =	swait.ge [sflag:s8], $0x4000  }
0x66: {  	[sflag:s8] =	ssyncset.done $0x0  }
0x67: {  	s18 =	rddreg [dreg:$0x11];
	[sflag:s8] =	ssyncadd.s32 $0xFFFFC000  }
0x68: {  	[hbm4b:s18+s4] =	stream.linear.scatter [tilespmem:s1], [sflag:$0x8], $0x4000, $0x38;
	[tilespmem:$0x17B40] =	vst v63  }
0x69: {  	_ =	swait.ge [sflag:s9], $0x4000  }
0x6a: {  	[sflag:s9] =	ssyncset.done $0x0  }
0x6b: {  	s25 =	simm.s32 $0x500;
	[sflag:s9] =	ssyncadd.s32 $0xFFFFC000  }
0x6c: {  	[tilespmem:s30], [sflag:$0x1] =	stream.indirect.gather [spmem:s3], $0x80, s25, s29, $0xb8;
	[tilespmem:$0x17B40] =	vst v63  }
0x6d: {  	_ =	swait.ge [sflag:s10], $0x4000  }
0x6e: {  	[sflag:s10] =	ssyncset.done $0x0  }
0x6f: {  	[sflag:s10] =	ssyncadd.s32 $0xFFFFC000  }
0x70: {  	[hbm4b:s21+s4] =	stream.linear.scatter [tilespmem:s0], [sflag:$0x9], $0x4000, $0x38;
	[tilespmem:$0x17B40] =	vst v63  }
0x71: {  	_ =	swait.ge [sflag:s11], $0x4000  }
0x72: {  	[sflag:s11] =	ssyncset.done $0x0  }
0x73: {  	s26 =	simm.s32 $0x580;
	[sflag:s11] =	ssyncadd.s32 $0xFFFFC000  }
0x74: {  	[tilespmem:s31], [sflag:$0x2] =	stream.indirect.gather [spmem:s3], $0x80, s26, s29, $0xb8;
	[tilespmem:$0x17B40] =	vst v63  }
0x75: {  	_ =	swait.ge [sflag:s12], $0x4000  }
0x76: {  	[sflag:s12] =	ssyncset.done $0x0  }
0x77: {  	s16 =	simm.s32 $0xA00;
	[sflag:s12] =	ssyncadd.s32 $0xFFFFC000  }
0x78: {  	[hbm4b:s20+s4] =	stream.linear.scatter [tilespmem:s7], [sflag:$0xA], $0x4000, $0x38;
	[tilespmem:$0x17B40] =	vst v63  }
0x79: {  	s6 =	sadd.s32 $0x280000, s19;
	s22 =	sadd.s32 $0x50000, s21;
	_ =	swait.ge [sflag:s5], $0x4000  }
0x7a: {  	s28 =	sadd.s32 $0x50000, s18;
	s25 =	sadd.s32 $0x50000, s17;
	[sflag:s5] =	ssyncset.done $0x0  }
0x7b: {  	s17 =	simm.s32 $0x600;
	s26 =	sadd.s32 $0x50000, s20;
	[sflag:s5] =	ssyncadd.s32 $0xFFFFC000  }
.LBB2_2:
0x7c: {  	[tilespmem:s1], [sflag:$0x3] =	stream.indirect.gather [spmem:s3], $0x80, s17, s29, $0xb8;
	[tilespmem:$0x17B40] =	vst v63  }
0x7d: {  	s17 =	smov.u32 s16  }
0x7e: {  	p1 =	sne.s32 s16, $0x4600;
	s16 =	sadd.s32 $0xA00, s16;
	_ =	swait.ge [sflag:s23], $0x4000  }
0x7f: {  	s18 =	sshrl.u32 s6, $0x3;
	[sflag:s23] =	ssyncset.done $0x0  }
0x80: {  	s18 =	sadd.s32 s2, s18;
	[sflag:s23] =	ssyncadd.s32 $0xFFFFC000  }
0x81: {  	[hbm4b:s18+s4] =	stream.linear.scatter [tilespmem:s30], [sflag:$0x6], $0x4000, $0x38;
	[tilespmem:$0x17B40] =	vst v63  }
0x82: {  	_ =	swait.ge [sflag:s13], $0x4000  }
0x83: {  	s17 =	sshra.s32 s17, $0x2;
	[sflag:s13] =	ssyncset.done $0x0  }
0x84: {  	s18 =	sadd.s32 $0x400, s17;
	[sflag:s13] =	ssyncadd.s32 $0xFFFFC000  }
0x85: {  	[tilespmem:s0], [sflag:$0x4] =	stream.indirect.gather [spmem:s3], $0x80, s18, s29, $0xb8;
	[tilespmem:$0x17B40] =	vst v63  }
0x86: {  	_ =	swait.ge [sflag:s24], $0x4000  }
0x87: {  	[sflag:s24] =	ssyncset.done $0x0  }
0x88: {  	[sflag:s24] =	ssyncadd.s32 $0xFFFFC000  }
0x89: {  	[hbm4b:s25+s4] =	stream.linear.scatter [tilespmem:s31], [sflag:$0x7], $0x4000, $0x38;
	[tilespmem:$0x17B40] =	vst v63  }
0x8a: {  	_ =	swait.ge [sflag:s14], $0x4000  }
0x8b: {  	[sflag:s14] =	ssyncset.done $0x0  }
0x8c: {  	s18 =	sadd.s32 $0x480, s17;
	[sflag:s14] =	ssyncadd.s32 $0xFFFFC000  }
0x8d: {  	[tilespmem:s7], [sflag:$0x5] =	stream.indirect.gather [spmem:s3], $0x80, s18, s29, $0xb8;
	[tilespmem:$0x17B40] =	vst v63  }
0x8e: {  	_ =	swait.ge [sflag:s8], $0x4000  }
0x8f: {  	[sflag:s8] =	ssyncset.done $0x0  }
0x90: {  	[sflag:s8] =	ssyncadd.s32 $0xFFFFC000  }
0x91: {  	[hbm4b:s28+s4] =	stream.linear.scatter [tilespmem:s1], [sflag:$0x8], $0x4000, $0x38;
	[tilespmem:$0x17B40] =	vst v63  }
0x92: {  	_ =	swait.ge [sflag:s9], $0x4000  }
0x93: {  	[sflag:s9] =	ssyncset.done $0x0  }
0x94: {  	s18 =	sadd.s32 $0x500, s17;
	[sflag:s9] =	ssyncadd.s32 $0xFFFFC000  }
0x95: {  	[tilespmem:s30], [sflag:$0x1] =	stream.indirect.gather [spmem:s3], $0x80, s18, s29, $0xb8;
	[tilespmem:$0x17B40] =	vst v63  }
0x96: {  	_ =	swait.ge [sflag:s10], $0x4000  }
0x97: {  	[sflag:s10] =	ssyncset.done $0x0  }
0x98: {  	[sflag:s10] =	ssyncadd.s32 $0xFFFFC000  }
0x99: {  	[hbm4b:s22+s4] =	stream.linear.scatter [tilespmem:s0], [sflag:$0x9], $0x4000, $0x38;
	[tilespmem:$0x17B40] =	vst v63  }
0x9a: {  	_ =	swait.ge [sflag:s11], $0x4000  }
0x9b: {  	[sflag:s11] =	ssyncset.done $0x0  }
0x9c: {  	s18 =	sadd.s32 $0x580, s17;
	[sflag:s11] =	ssyncadd.s32 $0xFFFFC000  }
0x9d: {  	[tilespmem:s31], [sflag:$0x2] =	stream.indirect.gather [spmem:s3], $0x80, s18, s29, $0xb8;
	[tilespmem:$0x17B40] =	vst v63  }
0x9e: {  	_ =	swait.ge [sflag:s12], $0x4000  }
0x9f: {  	[sflag:s12] =	ssyncset.done $0x0  }
.Ltmp0:
0xa0: {  	[sflag:s12] =	ssyncadd.s32 $0xFFFFC000;
	(pc) =	sbr.rel @p1 .LBB2_2-.Ltmp0, $4  }
0xa1: {  	[hbm4b:s26+s4] =	stream.linear.scatter [tilespmem:s7], [sflag:$0xA], $0x4000, $0x38;
	[tilespmem:$0x17B40] =	vst v63  }
0xa2: {  	s22 =	sadd.s32 $0x50000, s22;
	s26 =	sadd.s32 $0x50000, s26;
	_ =	swait.ge [sflag:s5], $0x4000  }
0xa3: {  	s6 =	sadd.s32 $0x280000, s6;
	s25 =	sadd.s32 $0x50000, s25;
	[sflag:s5] =	ssyncset.done $0x0  }
0xa4: {  	s28 =	sadd.s32 $0x50000, s28;
	s17 =	sadd.s32 $0x600, s17;
	[sflag:s5] =	ssyncadd.s32 $0xFFFFC000  }
0xa5: {  	[tilespmem:s1], [sflag:$0x3] =	stream.indirect.gather [spmem:s3], $0x80, s17, s29, $0xb8;
	[tilespmem:$0x17B40] =	vst v63  }
0xa6: {  	_ =	swait.ge [sflag:s23], $0x4000  }
0xa7: {  	[sflag:s23] =	ssyncset.done $0x0  }
0xa8: {  	s6 =	rddreg [dreg:$0xb];
	[sflag:s23] =	ssyncadd.s32 $0xFFFFC000  }
0xa9: {  	[hbm4b:s6+s4] =	stream.linear.scatter [tilespmem:s30], [sflag:$0x6], $0x4000, $0x38;
	[tilespmem:$0x17B40] =	vst v63  }
0xaa: {  	_ =	swait.ge [sflag:s13], $0x4000  }
0xab: {  	[sflag:s13] =	ssyncset.done $0x0  }
0xac: {  	s18 =	simm.s32 $0x1800;
	[sflag:s13] =	ssyncadd.s32 $0xFFFFC000  }
0xad: {  	[tilespmem:s0], [sflag:$0x4] =	stream.indirect.gather [spmem:s3], $0x80, s18, s29, $0xb8;
	[tilespmem:$0x17B40] =	vst v63  }
0xae: {  	_ =	swait.ge [sflag:s24], $0x4000  }
0xaf: {  	[sflag:s24] =	ssyncset.done $0x0  }
0xb0: {  	s16 =	rddreg [dreg:$0xc];
	[sflag:s24] =	ssyncadd.s32 $0xFFFFC000  }
0xb1: {  	[hbm4b:s16+s4] =	stream.linear.scatter [tilespmem:s31], [sflag:$0x7], $0x4000, $0x38;
	[tilespmem:$0x17B40] =	vst v63  }
0xb2: {  	_ =	swait.ge [sflag:s14], $0x4000  }
0xb3: {  	[sflag:s14] =	ssyncset.done $0x0  }
0xb4: {  	s17 =	simm.s32 $0x1880;
	[sflag:s14] =	ssyncadd.s32 $0xFFFFC000  }
0xb5: {  	[tilespmem:s7], [sflag:$0x5] =	stream.indirect.gather [spmem:s3], $0x80, s17, s29, $0xb8;
	[tilespmem:$0x17B40] =	vst v63  }
0xb6: {  	_ =	swait.ge [sflag:s8], $0x4000  }
0xb7: {  	[sflag:s8] =	ssyncset.done $0x0  }
0xb8: {  	s22 =	rddreg [dreg:$0xd];
	[sflag:s8] =	ssyncadd.s32 $0xFFFFC000  }
0xb9: {  	[hbm4b:s22+s4] =	stream.linear.scatter [tilespmem:s1], [sflag:$0x8], $0x4000, $0x38;
	[tilespmem:$0x17B40] =	vst v63  }
0xba: {  	_ =	swait.ge [sflag:s9], $0x4000  }
0xbb: {  	[sflag:s9] =	ssyncset.done $0x0  }
0xbc: {  	[sflag:s9] =	ssyncadd.s32 $0xFFFFC000  }
0xbd: {  	_ =	swait.ge [sflag:s10], $0x4000  }
0xbe: {  	[sflag:s10] =	ssyncset.done $0x0  }
0xbf: {  	s25 =	rddreg [dreg:$0xe];
	[sflag:s10] =	ssyncadd.s32 $0xFFFFC000  }
0xc0: {  	[hbm4b:s25+s4] =	stream.linear.scatter [tilespmem:s0], [sflag:$0x9], $0x4000, $0x38;
	[tilespmem:$0x17B40] =	vst v63  }
0xc1: {  	_ =	swait.ge [sflag:s11], $0x4000  }
0xc2: {  	[sflag:s11] =	ssyncset.done $0x0  }
0xc3: {  	[sflag:s11] =	ssyncadd.s32 $0xFFFFC000  }
0xc4: {  	_ =	swait.ge [sflag:s12], $0x4000  }
0xc5: {  	[sflag:s12] =	ssyncset.done $0x0  }
0xc6: {  	s26 =	rddreg [dreg:$0xf];
	[sflag:s12] =	ssyncadd.s32 $0xFFFFC000  }
0xc7: {  	[hbm4b:s26+s4] =	stream.linear.scatter [tilespmem:s7], [sflag:$0xA], $0x4000, $0x38;
	[tilespmem:$0x17B40] =	vst v63  }
0xc8: {  	_ =	swait.ge [sflag:s5], $0x4000  }
0xc9: {  	[sflag:s5] =	ssyncset.done $0x0  }
0xca: {  	[sflag:s5] =	ssyncadd.s32 $0xFFFFC000  }
0xcb: {  	_ =	swait.ge [sflag:s13], $0x4000  }
0xcc: {  	[sflag:s13] =	ssyncset.done $0x0  }
0xcd: {  	[sflag:s13] =	ssyncadd.s32 $0xFFFFC000  }
0xce: {  	_ =	swait.ge [sflag:s14], $0x4000  }
0xcf: {  	s15 =	sadd.s32 $0x1, s15;
	s28 =	rddreg [dreg:$0x10]  }
0xd0: {  	p1 =	sne.s32 s15, s28  }
.Ltmp1:
0xd1: {  	_ = 	snop;
	(pc) =	sbr.rel @p1 .LBB2_1-.Ltmp1, $3  }
0xd2: {  	_ =	sdelay $0x1  }
0xd3: {  	[sflag:s14] =	ssyncset.done $0x0  }
0xd4: {  	[sflag:s14] =	ssyncadd.s32 $0xFFFFC000  }
0xd5: {  	_ =	sfence.sel $0x180000  }
0xd6: {  	[bflag:$0x0] =	sbarrier.arrive $0xFFFF  }
0xd7: {  	_ =	strace $0x90000047  }
0xd8: {  	[bflag:$0x2] =	sbarrier.arrive $0xFFFF  }
0xd9: {  	s0 =	rddreg [dreg:$0x4]  }
0xda: {  	s0 =	sadd.s32 @!p0 $0x100000, s0  }
0xdb: {  	[sflag:s0] =	ssyncadd.tile.s32 @!p0 $0x1;
	_ =	shalt  }
.Lfunc_end2:
_tile_overlayer_lowered:
.L_overlay_start_2:
0xdc: {  	(tag) =	ssettag $0x2  }
0xdd: {  	s0 =	rddreg [dreg:$0x0];
	s2 =	stileid.u32  }
0xde: {  	s1 =	rddreg [dreg:$0x1];
	p0 =	sne.s32 s2, $0x0  }
0xdf: {  	s3 =	rddreg [dreg:$0x2];
	[bflag:$0x3] =	sbarrier.arrive $0xFFFF;
	s2 =	simm.s32 @!p0 $0x1C0B  }
0xe0: {  	[timem:s3], [sflag:s2] =	dma.local @!p0 [hbm:s0], s1  }
0xe1: {  	s0 =	simm.s32 @!p0 $0xB  }
0xe2: {  	_ =	swait.ge @!p0 [sflag:s0], s1  }
0xe3: {  	s1 =	ssub.s32 @!p0 $0x0, s1;
	[sflag:s0] =	ssyncset.done @!p0 $0x0  }
0xe4: {  	[sflag:s0] =	ssyncadd.s32 @!p0 s1  }
0xe5: {  	[bflag:$0x3] =	sbarrier.arrive $0xFFFF  }
0xe6: {  	_ =	shalt  }

</sc_bundles>
